<compile_context>
chip_gen: v7x
topology: tpu7x:2x2x1
jax: 0.10.2.dev20260603
libtpu: 0.0.44.dev20260713+nightly
codegen_flags: <defaults>
</compile_context>

<pallas_src>
import functools

import jax
import jax.numpy as jnp
from jax import lax
from jax.experimental import pallas as pl
from jax.experimental.pallas import tpu as pltpu
from jax.experimental.pallas import tpu_sc as plsc

VOCAB = 1000000
EMBED_DIM = 64
OUT_DIM = 2
SEQ_LEN = 200
BATCH = 4096

_LB = 32768
_NSLOT = 8


def _mm_body(w_ref, et_ref, o_ref):
    r = lax.dot_general(w_ref[...], et_ref[...],
                        (((0,), (0,)), ((), ())),
                        preferred_element_type=jnp.float32)
    r = r * (1.0 / SEQ_LEN)
    u = lax.bitcast_convert_type(r.astype(jnp.bfloat16), jnp.uint16)
    lo = u[0].astype(jnp.uint32)
    hi = u[1].astype(jnp.uint32)
    o_ref[...] = lax.bitcast_convert_type((hi << 16) | lo, jnp.int32)


def _project(et, w):
    return pl.pallas_call(
        _mm_body,
        grid=(pl.cdiv(VOCAB, _LB),),
        in_specs=[
            pl.BlockSpec((EMBED_DIM, OUT_DIM), lambda i: (0, 0)),
            pl.BlockSpec((EMBED_DIM, _LB), lambda i: (0, i)),
        ],
        out_specs=pl.BlockSpec((_LB,), lambda i: (i,)),
        out_shape=jax.ShapeDtypeStruct((VOCAB,), jnp.int32),
    )(w, et)


def _make_sc_pool():
    info = plsc.get_sparse_core_info()
    nc, ns = info.num_cores, info.num_subcores
    nw = nc * ns
    bpw = BATCH // nw
    mesh = plsc.VectorSubcoreMesh(core_axis_name="c", subcore_axis_name="s")

    @functools.partial(
        pl.kernel,
        out_type=jax.ShapeDtypeStruct((OUT_DIM, BATCH), jnp.float32),
        mesh=mesh,
        compiler_params=pltpu.CompilerParams(use_tc_tiling_on_sc=True,
                                             needs_layout_passes=False),
        scratch_types=[
            pltpu.VMEM((SEQ_LEN, bpw), jnp.int32),
            *[pltpu.VMEM((bpw,), jnp.int32) for _ in range(_NSLOT)],
            pltpu.VMEM((bpw,), jnp.float32),
            pltpu.VMEM((bpw,), jnp.float32),
            *[pltpu.SemaphoreType.DMA for _ in range(_NSLOT)],
        ],
    )
    def sc_pool(text_hbm, pk_hbm, out_hbm, idx_v, *rest):
        bufs = rest[:_NSLOT]
        acc0 = rest[_NSLOT]
        acc1 = rest[_NSLOT + 1]
        sems = rest[_NSLOT + 2:]
        wid = lax.axis_index("s") * nc + lax.axis_index("c")
        base = wid * bpw

        pltpu.sync_copy(text_hbm.at[:, pl.ds(base, bpw)], idx_v)

        zero = jnp.zeros((16,), jnp.float32)
        for u in range(bpw // 16):
            acc0[pl.ds(u * 16, 16)] = zero
            acc1[pl.ds(u * 16, 16)] = zero

        hi_mask = jnp.full((16,), -65536, jnp.int32)

        def issue(s, j):
            pltpu.async_copy(pk_hbm.at[idx_v.at[s]], bufs[j], sems[j])

        for j in range(_NSLOT):
            issue(j, j)

        def body(g, carry):
            for j in range(_NSLOT):
                v = g * _NSLOT + j
                pltpu.make_async_copy(
                    pk_hbm.at[idx_v.at[v]], bufs[j], sems[j]).wait()
                for u in range(bpw // 16):
                    sl = pl.ds(u * 16, 16)
                    w = bufs[j][sl]
                    p0 = plsc.bitcast(w << 16, jnp.float32)
                    p1 = plsc.bitcast(w & hi_mask, jnp.float32)
                    plsc.addupdate(acc0.at[sl], p0)
                    plsc.addupdate(acc1.at[sl], p1)

                @pl.when(v + _NSLOT < SEQ_LEN)
                def _():
                    issue(v + _NSLOT, j)

            return carry

        lax.fori_loop(0, SEQ_LEN // _NSLOT, body, 0)

        pltpu.sync_copy(acc0, out_hbm.at[0, pl.ds(base, bpw)])
        pltpu.sync_copy(acc1, out_hbm.at[1, pl.ds(base, bpw)])

    return sc_pool


_sc_pool = None


def kernel(text, embedding, W, b):
    global _sc_pool
    if _sc_pool is None:
        _sc_pool = _make_sc_pool()
    pk = _project(embedding.T, W)
    out2 = _sc_pool(text, pk)
    return out2.T + b

# --- scband reference (transcript-rebuilt; emitter-appended) ---
"""Pipeline reference for scband-fast-text-6966436954647 (READ-ONLY COPY).

The authoritative reference and input builder live on the scoring server;
editing this copy changes nothing except your own understanding.
"""

import jax, jax.numpy as jnp
import numpy as np

VOCAB = 1000000
EMBED_DIM = 64
OUTPUT_DIM = 2
PAD_IDX = 0
SEQ_LEN = 200
BATCH = 4096


def setup_inputs(seed: int = 0) -> dict:
    key = jax.random.key(seed)
    k1, k2, k3 = jax.random.split(key, 3)
    text = jax.random.randint(k1, (SEQ_LEN, BATCH), 0, VOCAB, dtype=jnp.int64 if jax.config.jax_enable_x64 else jnp.int32).astype(jnp.int32)
    embedding = jax.random.normal(k2, (VOCAB, EMBED_DIM), dtype=jnp.float32) * 0.02
    embedding = embedding.at[PAD_IDX].set(0.0)  # padding_idx row is zero
    W = jax.random.normal(k3, (EMBED_DIM, OUTPUT_DIM), dtype=jnp.float32) * 0.02
    b = jnp.zeros((OUTPUT_DIM,), dtype=jnp.float32)
    return {"text": text, "embedding": embedding, "W": W, "b": b}


def reference(text, embedding, W, b):
    # nn.Embedding lookup: [seq_len, batch, embed_dim]
    embed_text = jnp.take(embedding, text, axis=0)
    # permute(1, 0, 2) -> [batch, seq_len, embed_dim]
    embed_text = jnp.transpose(embed_text, (1, 0, 2))
    # F.avg_pool2d with kernel (seq_len, 1) then squeeze(1) == mean over seq axis
    pooled = jnp.mean(embed_text, axis=1)  # [batch, embed_dim]
    # fc
    return pooled @ W + b

if __name__ == "__main__":
    import jax
    _d = setup_inputs()
    print(jax.jit(kernel)(*tuple(_d.values())))

</pallas_src>

<mosaic_0001>
#map = affine_map<(d0, d1) -> (0, 0)>
#map1 = affine_map<(d0, d1) -> (0)>
module attributes {stable_mosaic.version = 14 : i64} {
  func.func @sc_pool(%arg0: i32, %arg1: i32, %arg2: memref<200x4096xi32, #tpu.memory_space<hbm>>, %arg3: memref<1000000xi32, #tpu.memory_space<hbm>>, %arg4: memref<2x4096xf32, #tpu.memory_space<hbm>>, %arg5: memref<200x128xi32, #tpu.memory_space<vmem>>, %arg6: memref<128xi32, #tpu.memory_space<vmem>>, %arg7: memref<128xi32, #tpu.memory_space<vmem>>, %arg8: memref<128xi32, #tpu.memory_space<vmem>>, %arg9: memref<128xi32, #tpu.memory_space<vmem>>, %arg10: memref<128xi32, #tpu.memory_space<vmem>>, %arg11: memref<128xi32, #tpu.memory_space<vmem>>, %arg12: memref<128xi32, #tpu.memory_space<vmem>>, %arg13: memref<128xi32, #tpu.memory_space<vmem>>, %arg14: memref<128xf32, #tpu.memory_space<vmem>>, %arg15: memref<128xf32, #tpu.memory_space<vmem>>, %arg16: memref<!tpu.dma_semaphore, #tpu.memory_space<semaphore_mem>>, %arg17: memref<!tpu.dma_semaphore, #tpu.memory_space<semaphore_mem>>, %arg18: memref<!tpu.dma_semaphore, #tpu.memory_space<semaphore_mem>>, %arg19: memref<!tpu.dma_semaphore, #tpu.memory_space<semaphore_mem>>, %arg20: memref<!tpu.dma_semaphore, #tpu.memory_space<semaphore_mem>>, %arg21: memref<!tpu.dma_semaphore, #tpu.memory_space<semaphore_mem>>, %arg22: memref<!tpu.dma_semaphore, #tpu.memory_space<semaphore_mem>>, %arg23: memref<!tpu.dma_semaphore, #tpu.memory_space<semaphore_mem>>) attributes {dimension_semantics = [#tpu.dimension_semantics<core_parallel>, #tpu.dimension_semantics<subcore_parallel>], iteration_bounds = array<i64: 2, 16>, scalar_prefetch = 0 : i64, scratch_operands = 19 : i64, tpu.core_type = #tpu.core_type<sc_vector_subcore>, window_params = [{transform_indices = #map}, {transform_indices = #map1}, {transform_indices = #map}]} {
    %mul3A = arith.constant 2 : i32
    %mul3A_0 = arith.muli %arg1, %mul3A : i32
    %add3A = arith.addi %mul3A_0, %arg0 : i32
    %mul3A_1 = arith.constant 128 : i32
    %mul3A_2 = arith.muli %add3A, %mul3A_1 : i32
    "tpu.region"() ({
      %run_scoped3A_90 = tpu.sem_alloc : memref<!tpu.dma_semaphore, #tpu.memory_space<semaphore_mem>>
      %dma_start3A_91 = arith.constant 0 : i32
      %dma_start3A_92 = tpu.memref_slice %arg2[%dma_start3A_91, %mul3A_2] : memref<200x4096xi32, #tpu.memory_space<hbm>> -> memref<200x128xi32, #tpu.memory_space<hbm>>
      %dma_start3A_93 = arith.constant 0 : i32
      %dma_start3A_94 = tpu.memref_slice %arg2[%dma_start3A_93, %mul3A_2] : memref<200x4096xi32, #tpu.memory_space<hbm>> -> memref<200x128xi32, #tpu.memory_space<hbm>>
      tpu.enqueue_dma source(%dma_start3A_94 : memref<200x128xi32, #tpu.memory_space<hbm>>) target(%arg5 : memref<200x128xi32, #tpu.memory_space<vmem>>) target_semaphore(%run_scoped3A_90 : memref<!tpu.dma_semaphore, #tpu.memory_space<semaphore_mem>>)
      %dma_wait3A = arith.constant 0 : i32
      %dma_wait3A_95 = tpu.memref_slice %arg2[%dma_wait3A, %mul3A_2] : memref<200x4096xi32, #tpu.memory_space<hbm>> -> memref<200x128xi32, #tpu.memory_space<hbm>>
      %dma_wait3A_96 = arith.constant 0 : i32
      %dma_wait3A_97 = tpu.memref_slice %arg2[%dma_wait3A_96, %mul3A_2] : memref<200x4096xi32, #tpu.memory_space<hbm>> -> memref<200x128xi32, #tpu.memory_space<hbm>>
      tpu.wait_dma2 semaphore(%run_scoped3A_90 : memref<!tpu.dma_semaphore, #tpu.memory_space<semaphore_mem>>) src(%dma_wait3A_97 : memref<200x128xi32, #tpu.memory_space<hbm>>) dst(%arg5 : memref<200x128xi32, #tpu.memory_space<vmem>>)
      tpu.yield
    }) : () -> ()
    %broadcast_in_dim3A = arith.constant 0.000000e+00 : f32
    %broadcast_in_dim3A_3 = vector.broadcast %broadcast_in_dim3A : f32 to vector<16xf32>
    %swap3A = arith.constant 0 : index
    %swap3A_4 = tpu.vector_load %arg14[%swap3A] {strides = array<i32>} : memref<128xf32, #tpu.memory_space<vmem>>, vector<16xf32>,
    tpu.vector_store %arg14[%swap3A], %broadcast_in_dim3A_3 {strides = array<i32>} : memref<128xf32, #tpu.memory_space<vmem>>, vector<16xf32>,
    %swap3A_5 = arith.constant 0 : index
    %swap3A_6 = tpu.vector_load %arg15[%swap3A_5] {strides = array<i32>} : memref<128xf32, #tpu.memory_space<vmem>>, vector<16xf32>,
    tpu.vector_store %arg15[%swap3A_5], %broadcast_in_dim3A_3 {strides = array<i32>} : memref<128xf32, #tpu.memory_space<vmem>>, vector<16xf32>,
    %swap3A_7 = arith.constant 16 : index
    %swap3A_8 = tpu.vector_load %arg14[%swap3A_7] {strides = array<i32>} : memref<128xf32, #tpu.memory_space<vmem>>, vector<16xf32>,
    tpu.vector_store %arg14[%swap3A_7], %broadcast_in_dim3A_3 {strides = array<i32>} : memref<128xf32, #tpu.memory_space<vmem>>, vector<16xf32>,
    %swap3A_9 = arith.constant 16 : index
    %swap3A_10 = tpu.vector_load %arg15[%swap3A_9] {strides = array<i32>} : memref<128xf32, #tpu.memory_space<vmem>>, vector<16xf32>,
    tpu.vector_store %arg15[%swap3A_9], %broadcast_in_dim3A_3 {strides = array<i32>} : memref<128xf32, #tpu.memory_space<vmem>>, vector<16xf32>,
    %swap3A_11 = arith.constant 32 : index
    %swap3A_12 = tpu.vector_load %arg14[%swap3A_11] {strides = array<i32>} : memref<128xf32, #tpu.memory_space<vmem>>, vector<16xf32>,
    tpu.vector_store %arg14[%swap3A_11], %broadcast_in_dim3A_3 {strides = array<i32>} : memref<128xf32, #tpu.memory_space<vmem>>, vector<16xf32>,
    %swap3A_13 = arith.constant 32 : index
    %swap3A_14 = tpu.vector_load %arg15[%swap3A_13] {strides = array<i32>} : memref<128xf32, #tpu.memory_space<vmem>>, vector<16xf32>,
    tpu.vector_store %arg15[%swap3A_13], %broadcast_in_dim3A_3 {strides = array<i32>} : memref<128xf32, #tpu.memory_space<vmem>>, vector<16xf32>,
    %swap3A_15 = arith.constant 48 : index
    %swap3A_16 = tpu.vector_load %arg14[%swap3A_15] {strides = array<i32>} : memref<128xf32, #tpu.memory_space<vmem>>, vector<16xf32>,
    tpu.vector_store %arg14[%swap3A_15], %broadcast_in_dim3A_3 {strides = array<i32>} : memref<128xf32, #tpu.memory_space<vmem>>, vector<16xf32>,
    %swap3A_17 = arith.constant 48 : index
    %swap3A_18 = tpu.vector_load %arg15[%swap3A_17] {strides = array<i32>} : memref<128xf32, #tpu.memory_space<vmem>>, vector<16xf32>,
    tpu.vector_store %arg15[%swap3A_17], %broadcast_in_dim3A_3 {strides = array<i32>} : memref<128xf32, #tpu.memory_space<vmem>>, vector<16xf32>,
    %swap3A_19 = arith.constant 64 : index
    %swap3A_20 = tpu.vector_load %arg14[%swap3A_19] {strides = array<i32>} : memref<128xf32, #tpu.memory_space<vmem>>, vector<16xf32>,
    tpu.vector_store %arg14[%swap3A_19], %broadcast_in_dim3A_3 {strides = array<i32>} : memref<128xf32, #tpu.memory_space<vmem>>, vector<16xf32>,
    %swap3A_21 = arith.constant 64 : index
    %swap3A_22 = tpu.vector_load %arg15[%swap3A_21] {strides = array<i32>} : memref<128xf32, #tpu.memory_space<vmem>>, vector<16xf32>,
    tpu.vector_store %arg15[%swap3A_21], %broadcast_in_dim3A_3 {strides = array<i32>} : memref<128xf32, #tpu.memory_space<vmem>>, vector<16xf32>,
    %swap3A_23 = arith.constant 80 : index
    %swap3A_24 = tpu.vector_load %arg14[%swap3A_23] {strides = array<i32>} : memref<128xf32, #tpu.memory_space<vmem>>, vector<16xf32>,
    tpu.vector_store %arg14[%swap3A_23], %broadcast_in_dim3A_3 {strides = array<i32>} : memref<128xf32, #tpu.memory_space<vmem>>, vector<16xf32>,
    %swap3A_25 = arith.constant 80 : index
    %swap3A_26 = tpu.vector_load %arg15[%swap3A_25] {strides = array<i32>} : memref<128xf32, #tpu.memory_space<vmem>>, vector<16xf32>,
    tpu.vector_store %arg15[%swap3A_25], %broadcast_in_dim3A_3 {strides = array<i32>} : memref<128xf32, #tpu.memory_space<vmem>>, vector<16xf32>,
    %swap3A_27 = arith.constant 96 : index
    %swap3A_28 = tpu.vector_load %arg14[%swap3A_27] {strides = array<i32>} : memref<128xf32, #tpu.memory_space<vmem>>, vector<16xf32>,
    tpu.vector_store %arg14[%swap3A_27], %broadcast_in_dim3A_3 {strides = array<i32>} : memref<128xf32, #tpu.memory_space<vmem>>, vector<16xf32>,
    %swap3A_29 = arith.constant 96 : index
    %swap3A_30 = tpu.vector_load %arg15[%swap3A_29] {strides = array<i32>} : memref<128xf32, #tpu.memory_space<vmem>>, vector<16xf32>,
    tpu.vector_store %arg15[%swap3A_29], %broadcast_in_dim3A_3 {strides = array<i32>} : memref<128xf32, #tpu.memory_space<vmem>>, vector<16xf32>,
    %swap3A_31 = arith.constant 112 : index
    %swap3A_32 = tpu.vector_load %arg14[%swap3A_31] {strides = array<i32>} : memref<128xf32, #tpu.memory_space<vmem>>, vector<16xf32>,
    tpu.vector_store %arg14[%swap3A_31], %broadcast_in_dim3A_3 {strides = array<i32>} : memref<128xf32, #tpu.memory_space<vmem>>, vector<16xf32>,
    %swap3A_33 = arith.constant 112 : index
    %swap3A_34 = tpu.vector_load %arg15[%swap3A_33] {strides = array<i32>} : memref<128xf32, #tpu.memory_space<vmem>>, vector<16xf32>,
    tpu.vector_store %arg15[%swap3A_33], %broadcast_in_dim3A_3 {strides = array<i32>} : memref<128xf32, #tpu.memory_space<vmem>>, vector<16xf32>,
    %broadcast_in_dim3A_35 = arith.constant -65536 : i32
    %broadcast_in_dim3A_36 = vector.broadcast %broadcast_in_dim3A_35 : i32 to vector<16xi32>
    %dma_start3A = arith.constant 0 : i32
    %dma_start3A_37 = arith.constant 0 : i32
    %dma_start3A_38 = tpu.memref_slice %arg5[%dma_start3A, %dma_start3A_37] : memref<200x128xi32, #tpu.memory_space<vmem>> -> memref<1x128xi32, #tpu.memory_space<vmem>>
    %dma_start3A_39 = tpu.memref_squeeze %dma_start3A_38 : memref<1x128xi32, #tpu.memory_space<vmem>> -> memref<128xi32, #tpu.memory_space<vmem>>
    %dma_start3A_40 = arith.constant 0 : i32
    %dma_start3A_41 = tpu.memref_slice %arg3[%dma_start3A_40] : memref<1000000xi32, #tpu.memory_space<hbm>> -> memref<1000000xi32, #tpu.memory_space<hbm>>
    tpu.enqueue_indirect_dma source(%dma_start3A_41 : memref<1000000xi32, #tpu.memory_space<hbm>>) target(%arg6 : memref<128xi32, #tpu.memory_space<vmem>>) offsets(%dma_start3A_39 : memref<128xi32, #tpu.memory_space<vmem>>) semaphore(%arg16 : memref<!tpu.dma_semaphore, #tpu.memory_space<semaphore_mem>>)
    %dma_start3A_42 = arith.constant 1 : i32
    %dma_start3A_43 = arith.constant 0 : i32
    %dma_start3A_44 = tpu.memref_slice %arg5[%dma_start3A_42, %dma_start3A_43] : memref<200x128xi32, #tpu.memory_space<vmem>> -> memref<1x128xi32, #tpu.memory_space<vmem>>
    %dma_start3A_45 = tpu.memref_squeeze %dma_start3A_44 : memref<1x128xi32, #tpu.memory_space<vmem>> -> memref<128xi32, #tpu.memory_space<vmem>>
    %dma_start3A_46 = arith.constant 0 : i32
    %dma_start3A_47 = tpu.memref_slice %arg3[%dma_start3A_46] : memref<1000000xi32, #tpu.memory_space<hbm>> -> memref<1000000xi32, #tpu.memory_space<hbm>>
    tpu.enqueue_indirect_dma source(%dma_start3A_47 : memref<1000000xi32, #tpu.memory_space<hbm>>) target(%arg7 : memref<128xi32, #tpu.memory_space<vmem>>) offsets(%dma_start3A_45 : memref<128xi32, #tpu.memory_space<vmem>>) semaphore(%arg17 : memref<!tpu.dma_semaphore, #tpu.memory_space<semaphore_mem>>)
    %dma_start3A_48 = arith.constant 2 : i32
    %dma_start3A_49 = arith.constant 0 : i32
    %dma_start3A_50 = tpu.memref_slice %arg5[%dma_start3A_48, %dma_start3A_49] : memref<200x128xi32, #tpu.memory_space<vmem>> -> memref<1x128xi32, #tpu.memory_space<vmem>>
    %dma_start3A_51 = tpu.memref_squeeze %dma_start3A_50 : memref<1x128xi32, #tpu.memory_space<vmem>> -> memref<128xi32, #tpu.memory_space<vmem>>
    %dma_start3A_52 = arith.constant 0 : i32
    %dma_start3A_53 = tpu.memref_slice %arg3[%dma_start3A_52] : memref<1000000xi32, #tpu.memory_space<hbm>> -> memref<1000000xi32, #tpu.memory_space<hbm>>
    tpu.enqueue_indirect_dma source(%dma_start3A_53 : memref<1000000xi32, #tpu.memory_space<hbm>>) target(%arg8 : memref<128xi32, #tpu.memory_space<vmem>>) offsets(%dma_start3A_51 : memref<128xi32, #tpu.memory_space<vmem>>) semaphore(%arg18 : memref<!tpu.dma_semaphore, #tpu.memory_space<semaphore_mem>>)
    %dma_start3A_54 = arith.constant 3 : i32
    %dma_start3A_55 = arith.constant 0 : i32
    %dma_start3A_56 = tpu.memref_slice %arg5[%dma_start3A_54, %dma_start3A_55] : memref<200x128xi32, #tpu.memory_space<vmem>> -> memref<1x128xi32, #tpu.memory_space<vmem>>
    %dma_start3A_57 = tpu.memref_squeeze %dma_start3A_56 : memref<1x128xi32, #tpu.memory_space<vmem>> -> memref<128xi32, #tpu.memory_space<vmem>>
    %dma_start3A_58 = arith.constant 0 : i32
    %dma_start3A_59 = tpu.memref_slice %arg3[%dma_start3A_58] : memref<1000000xi32, #tpu.memory_space<hbm>> -> memref<1000000xi32, #tpu.memory_space<hbm>>
    tpu.enqueue_indirect_dma source(%dma_start3A_59 : memref<1000000xi32, #tpu.memory_space<hbm>>) target(%arg9 : memref<128xi32, #tpu.memory_space<vmem>>) offsets(%dma_start3A_57 : memref<128xi32, #tpu.memory_space<vmem>>) semaphore(%arg19 : memref<!tpu.dma_semaphore, #tpu.memory_space<semaphore_mem>>)
    %dma_start3A_60 = arith.constant 4 : i32
    %dma_start3A_61 = arith.constant 0 : i32
    %dma_start3A_62 = tpu.memref_slice %arg5[%dma_start3A_60, %dma_start3A_61] : memref<200x128xi32, #tpu.memory_space<vmem>> -> memref<1x128xi32, #tpu.memory_space<vmem>>
    %dma_start3A_63 = tpu.memref_squeeze %dma_start3A_62 : memref<1x128xi32, #tpu.memory_space<vmem>> -> memref<128xi32, #tpu.memory_space<vmem>>
    %dma_start3A_64 = arith.constant 0 : i32
    %dma_start3A_65 = tpu.memref_slice %arg3[%dma_start3A_64] : memref<1000000xi32, #tpu.memory_space<hbm>> -> memref<1000000xi32, #tpu.memory_space<hbm>>
    tpu.enqueue_indirect_dma source(%dma_start3A_65 : memref<1000000xi32, #tpu.memory_space<hbm>>) target(%arg10 : memref<128xi32, #tpu.memory_space<vmem>>) offsets(%dma_start3A_63 : memref<128xi32, #tpu.memory_space<vmem>>) semaphore(%arg20 : memref<!tpu.dma_semaphore, #tpu.memory_space<semaphore_mem>>)
    %dma_start3A_66 = arith.constant 5 : i32
    %dma_start3A_67 = arith.constant 0 : i32
    %dma_start3A_68 = tpu.memref_slice %arg5[%dma_start3A_66, %dma_start3A_67] : memref<200x128xi32, #tpu.memory_space<vmem>> -> memref<1x128xi32, #tpu.memory_space<vmem>>
    %dma_start3A_69 = tpu.memref_squeeze %dma_start3A_68 : memref<1x128xi32, #tpu.memory_space<vmem>> -> memref<128xi32, #tpu.memory_space<vmem>>
    %dma_start3A_70 = arith.constant 0 : i32
    %dma_start3A_71 = tpu.memref_slice %arg3[%dma_start3A_70] : memref<1000000xi32, #tpu.memory_space<hbm>> -> memref<1000000xi32, #tpu.memory_space<hbm>>
    tpu.enqueue_indirect_dma source(%dma_start3A_71 : memref<1000000xi32, #tpu.memory_space<hbm>>) target(%arg11 : memref<128xi32, #tpu.memory_space<vmem>>) offsets(%dma_start3A_69 : memref<128xi32, #tpu.memory_space<vmem>>) semaphore(%arg21 : memref<!tpu.dma_semaphore, #tpu.memory_space<semaphore_mem>>)
    %dma_start3A_72 = arith.constant 6 : i32
    %dma_start3A_73 = arith.constant 0 : i32
    %dma_start3A_74 = tpu.memref_slice %arg5[%dma_start3A_72, %dma_start3A_73] : memref<200x128xi32, #tpu.memory_space<vmem>> -> memref<1x128xi32, #tpu.memory_space<vmem>>
    %dma_start3A_75 = tpu.memref_squeeze %dma_start3A_74 : memref<1x128xi32, #tpu.memory_space<vmem>> -> memref<128xi32, #tpu.memory_space<vmem>>
    %dma_start3A_76 = arith.constant 0 : i32
    %dma_start3A_77 = tpu.memref_slice %arg3[%dma_start3A_76] : memref<1000000xi32, #tpu.memory_space<hbm>> -> memref<1000000xi32, #tpu.memory_space<hbm>>
    tpu.enqueue_indirect_dma source(%dma_start3A_77 : memref<1000000xi32, #tpu.memory_space<hbm>>) target(%arg12 : memref<128xi32, #tpu.memory_space<vmem>>) offsets(%dma_start3A_75 : memref<128xi32, #tpu.memory_space<vmem>>) semaphore(%arg22 : memref<!tpu.dma_semaphore, #tpu.memory_space<semaphore_mem>>)
    %dma_start3A_78 = arith.constant 7 : i32
    %dma_start3A_79 = arith.constant 0 : i32
    %dma_start3A_80 = tpu.memref_slice %arg5[%dma_start3A_78, %dma_start3A_79] : memref<200x128xi32, #tpu.memory_space<vmem>> -> memref<1x128xi32, #tpu.memory_space<vmem>>
    %dma_start3A_81 = tpu.memref_squeeze %dma_start3A_80 : memref<1x128xi32, #tpu.memory_space<vmem>> -> memref<128xi32, #tpu.memory_space<vmem>>
    %dma_start3A_82 = arith.constant 0 : i32
    %dma_start3A_83 = tpu.memref_slice %arg3[%dma_start3A_82] : memref<1000000xi32, #tpu.memory_space<hbm>> -> memref<1000000xi32, #tpu.memory_space<hbm>>
    tpu.enqueue_indirect_dma source(%dma_start3A_83 : memref<1000000xi32, #tpu.memory_space<hbm>>) target(%arg13 : memref<128xi32, #tpu.memory_space<vmem>>) offsets(%dma_start3A_81 : memref<128xi32, #tpu.memory_space<vmem>>) semaphore(%arg23 : memref<!tpu.dma_semaphore, #tpu.memory_space<semaphore_mem>>)
    %scan3A = arith.constant 0 : i32
    %scan3A_84 = arith.constant 0 : i32
    %scan3A_85 = arith.constant 25 : i32
    %scan3A_86 = arith.addi %scan3A_84, %scan3A_85 : i32
    %scan3A_87 = arith.constant 1 : i32
    scf.for %scan3A_90 = %scan3A_84 to %scan3A_86 step %scan3A_87  : i32 {
      %mul3A_91 = arith.constant 8 : i32
      %mul3A_92 = arith.muli %scan3A_90, %mul3A_91 : i32
      %add3A_93 = arith.constant 0 : i32
      %add3A_94 = arith.addi %mul3A_92, %add3A_93 : i32
      %dma_wait3A = arith.constant 0 : i32
      %dma_wait3A_95 = tpu.memref_slice %arg5[%add3A_94, %dma_wait3A] : memref<200x128xi32, #tpu.memory_space<vmem>> -> memref<1x128xi32, #tpu.memory_space<vmem>>
      %dma_wait3A_96 = tpu.memref_squeeze %dma_wait3A_95 : memref<1x128xi32, #tpu.memory_space<vmem>> -> memref<128xi32, #tpu.memory_space<vmem>>
      %dma_wait3A_97 = arith.constant 0 : i32
      %dma_wait3A_98 = tpu.memref_slice %arg3[%dma_wait3A_97] : memref<1000000xi32, #tpu.memory_space<hbm>> -> memref<1000000xi32, #tpu.memory_space<hbm>>
      tpu.wait_indirect_dma semaphore(%arg16 : memref<!tpu.dma_semaphore, #tpu.memory_space<semaphore_mem>>) src(%dma_wait3A_98 : memref<1000000xi32, #tpu.memory_space<hbm>>) dst(%arg6 : memref<128xi32, #tpu.memory_space<vmem>>)
      %get3A = arith.constant 0 : index
      %get3A_99 = tpu.vector_load %arg6[%get3A] {strides = array<i32>} : memref<128xi32, #tpu.memory_space<vmem>>, vector<16xi32>,
      %shift_left3A = arith.constant 16 : i32
      %shift_left3A_100 = vector.broadcast %shift_left3A : i32 to vector<16xi32>
      %shift_left3A_101 = arith.shli %get3A_99, %shift_left3A_100 : vector<16xi32>
      %bitcast3A = vector.bitcast %shift_left3A_101 : vector<16xi32> to vector<16xf32>
      %and3A = arith.andi %get3A_99, %broadcast_in_dim3A_36 : vector<16xi32>
      %bitcast3A_102 = vector.bitcast %and3A : vector<16xi32> to vector<16xf32>
      %swap3A_103 = arith.constant 0 : index
      %swap3A_104 = tpu.vector_load %arg14[%swap3A_103] {strides = array<i32>} : memref<128xf32, #tpu.memory_space<vmem>>, vector<16xf32>,
      tpu.vector_store %arg14[%swap3A_103], %bitcast3A {add = true, strides = array<i32>} : memref<128xf32, #tpu.memory_space<vmem>>, vector<16xf32>,
      %swap3A_105 = arith.constant 0 : index
      %swap3A_106 = tpu.vector_load %arg15[%swap3A_105] {strides = array<i32>} : memref<128xf32, #tpu.memory_space<vmem>>, vector<16xf32>,
      tpu.vector_store %arg15[%swap3A_105], %bitcast3A_102 {add = true, strides = array<i32>} : memref<128xf32, #tpu.memory_space<vmem>>, vector<16xf32>,
      %get3A_107 = arith.constant 16 : index
      %get3A_108 = tpu.vector_load %arg6[%get3A_107] {strides = array<i32>} : memref<128xi32, #tpu.memory_space<vmem>>, vector<16xi32>,
      %shift_left3A_109 = arith.constant 16 : i32
      %shift_left3A_110 = vector.broadcast %shift_left3A_109 : i32 to vector<16xi32>
      %shift_left3A_111 = arith.shli %get3A_108, %shift_left3A_110 : vector<16xi32>
      %bitcast3A_112 = vector.bitcast %shift_left3A_111 : vector<16xi32> to vector<16xf32>
      %and3A_113 = arith.andi %get3A_108, %broadcast_in_dim3A_36 : vector<16xi32>
      %bitcast3A_114 = vector.bitcast %and3A_113 : vector<16xi32> to vector<16xf32>
      %swap3A_115 = arith.constant 16 : index
      %swap3A_116 = tpu.vector_load %arg14[%swap3A_115] {strides = array<i32>} : memref<128xf32, #tpu.memory_space<vmem>>, vector<16xf32>,
      tpu.vector_store %arg14[%swap3A_115], %bitcast3A_112 {add = true, strides = array<i32>} : memref<128xf32, #tpu.memory_space<vmem>>, vector<16xf32>,
      %swap3A_117 = arith.constant 16 : index
      %swap3A_118 = tpu.vector_load %arg15[%swap3A_117] {strides = array<i32>} : memref<128xf32, #tpu.memory_space<vmem>>, vector<16xf32>,
      tpu.vector_store %arg15[%swap3A_117], %bitcast3A_114 {add = true, strides = array<i32>} : memref<128xf32, #tpu.memory_space<vmem>>, vector<16xf32>,
      %get3A_119 = arith.constant 32 : index
      %get3A_120 = tpu.vector_load %arg6[%get3A_119] {strides = array<i32>} : memref<128xi32, #tpu.memory_space<vmem>>, vector<16xi32>,
      %shift_left3A_121 = arith.constant 16 : i32
      %shift_left3A_122 = vector.broadcast %shift_left3A_121 : i32 to vector<16xi32>
      %shift_left3A_123 = arith.shli %get3A_120, %shift_left3A_122 : vector<16xi32>
      %bitcast3A_124 = vector.bitcast %shift_left3A_123 : vector<16xi32> to vector<16xf32>
      %and3A_125 = arith.andi %get3A_120, %broadcast_in_dim3A_36 : vector<16xi32>
      %bitcast3A_126 = vector.bitcast %and3A_125 : vector<16xi32> to vector<16xf32>
      %swap3A_127 = arith.constant 32 : index
      %swap3A_128 = tpu.vector_load %arg14[%swap3A_127] {strides = array<i32>} : memref<128xf32, #tpu.memory_space<vmem>>, vector<16xf32>,
      tpu.vector_store %arg14[%swap3A_127], %bitcast3A_124 {add = true, strides = array<i32>} : memref<128xf32, #tpu.memory_space<vmem>>, vector<16xf32>,
      %swap3A_129 = arith.constant 32 : index
      %swap3A_130 = tpu.vector_load %arg15[%swap3A_129] {strides = array<i32>} : memref<128xf32, #tpu.memory_space<vmem>>, vector<16xf32>,
      tpu.vector_store %arg15[%swap3A_129], %bitcast3A_126 {add = true, strides = array<i32>} : memref<128xf32, #tpu.memory_space<vmem>>, vector<16xf32>,
      %get3A_131 = arith.constant 48 : index
      %get3A_132 = tpu.vector_load %arg6[%get3A_131] {strides = array<i32>} : memref<128xi32, #tpu.memory_space<vmem>>, vector<16xi32>,
      %shift_left3A_133 = arith.constant 16 : i32
      %shift_left3A_134 = vector.broadcast %shift_left3A_133 : i32 to vector<16xi32>
      %shift_left3A_135 = arith.shli %get3A_132, %shift_left3A_134 : vector<16xi32>
      %bitcast3A_136 = vector.bitcast %shift_left3A_135 : vector<16xi32> to vector<16xf32>
      %and3A_137 = arith.andi %get3A_132, %broadcast_in_dim3A_36 : vector<16xi32>
      %bitcast3A_138 = vector.bitcast %and3A_137 : vector<16xi32> to vector<16xf32>
      %swap3A_139 = arith.constant 48 : index
      %swap3A_140 = tpu.vector_load %arg14[%swap3A_139] {strides = array<i32>} : memref<128xf32, #tpu.memory_space<vmem>>, vector<16xf32>,
      tpu.vector_store %arg14[%swap3A_139], %bitcast3A_136 {add = true, strides = array<i32>} : memref<128xf32, #tpu.memory_space<vmem>>, vector<16xf32>,
      %swap3A_141 = arith.constant 48 : index
      %swap3A_142 = tpu.vector_load %arg15[%swap3A_141] {strides = array<i32>} : memref<128xf32, #tpu.memory_space<vmem>>, vector<16xf32>,
      tpu.vector_store %arg15[%swap3A_141], %bitcast3A_138 {add = true, strides = array<i32>} : memref<128xf32, #tpu.memory_space<vmem>>, vector<16xf32>,
      %get3A_143 = arith.constant 64 : index
      %get3A_144 = tpu.vector_load %arg6[%get3A_143] {strides = array<i32>} : memref<128xi32, #tpu.memory_space<vmem>>, vector<16xi32>,
      %shift_left3A_145 = arith.constant 16 : i32
      %shift_left3A_146 = vector.broadcast %shift_left3A_145 : i32 to vector<16xi32>
      %shift_left3A_147 = arith.shli %get3A_144, %shift_left3A_146 : vector<16xi32>
      %bitcast3A_148 = vector.bitcast %shift_left3A_147 : vector<16xi32> to vector<16xf32>
      %and3A_149 = arith.andi %get3A_144, %broadcast_in_dim3A_36 : vector<16xi32>
      %bitcast3A_150 = vector.bitcast %and3A_149 : vector<16xi32> to vector<16xf32>
      %swap3A_151 = arith.constant 64 : index
      %swap3A_152 = tpu.vector_load %arg14[%swap3A_151] {strides = array<i32>} : memref<128xf32, #tpu.memory_space<vmem>>, vector<16xf32>,
      tpu.vector_store %arg14[%swap3A_151], %bitcast3A_148 {add = true, strides = array<i32>} : memref<128xf32, #tpu.memory_space<vmem>>, vector<16xf32>,
      %swap3A_153 = arith.constant 64 : index
      %swap3A_154 = tpu.vector_load %arg15[%swap3A_153] {strides = array<i32>} : memref<128xf32, #tpu.memory_space<vmem>>, vector<16xf32>,
      tpu.vector_store %arg15[%swap3A_153], %bitcast3A_150 {add = true, strides = array<i32>} : memref<128xf32, #tpu.memory_space<vmem>>, vector<16xf32>,
      %get3A_155 = arith.constant 80 : index
      %get3A_156 = tpu.vector_load %arg6[%get3A_155] {strides = array<i32>} : memref<128xi32, #tpu.memory_space<vmem>>, vector<16xi32>,
      %shift_left3A_157 = arith.constant 16 : i32
      %shift_left3A_158 = vector.broadcast %shift_left3A_157 : i32 to vector<16xi32>
      %shift_left3A_159 = arith.shli %get3A_156, %shift_left3A_158 : vector<16xi32>
      %bitcast3A_160 = vector.bitcast %shift_left3A_159 : vector<16xi32> to vector<16xf32>
      %and3A_161 = arith.andi %get3A_156, %broadcast_in_dim3A_36 : vector<16xi32>
      %bitcast3A_162 = vector.bitcast %and3A_161 : vector<16xi32> to vector<16xf32>
      %swap3A_163 = arith.constant 80 : index
      %swap3A_164 = tpu.vector_load %arg14[%swap3A_163] {strides = array<i32>} : memref<128xf32, #tpu.memory_space<vmem>>, vector<16xf32>,
      tpu.vector_store %arg14[%swap3A_163], %bitcast3A_160 {add = true, strides = array<i32>} : memref<128xf32, #tpu.memory_space<vmem>>, vector<16xf32>,
      %swap3A_165 = arith.constant 80 : index
      %swap3A_166 = tpu.vector_load %arg15[%swap3A_165] {strides = array<i32>} : memref<128xf32, #tpu.memory_space<vmem>>, vector<16xf32>,
      tpu.vector_store %arg15[%swap3A_165], %bitcast3A_162 {add = true, strides = array<i32>} : memref<128xf32, #tpu.memory_space<vmem>>, vector<16xf32>,
      %get3A_167 = arith.constant 96 : index
      %get3A_168 = tpu.vector_load %arg6[%get3A_167] {strides = array<i32>} : memref<128xi32, #tpu.memory_space<vmem>>, vector<16xi32>,
      %shift_left3A_169 = arith.constant 16 : i32
      %shift_left3A_170 = vector.broadcast %shift_left3A_169 : i32 to vector<16xi32>
      %shift_left3A_171 = arith.shli %get3A_168, %shift_left3A_170 : vector<16xi32>
      %bitcast3A_172 = vector.bitcast %shift_left3A_171 : vector<16xi32> to vector<16xf32>
      %and3A_173 = arith.andi %get3A_168, %broadcast_in_dim3A_36 : vector<16xi32>
      %bitcast3A_174 = vector.bitcast %and3A_173 : vector<16xi32> to vector<16xf32>
      %swap3A_175 = arith.constant 96 : index
      %swap3A_176 = tpu.vector_load %arg14[%swap3A_175] {strides = array<i32>} : memref<128xf32, #tpu.memory_space<vmem>>, vector<16xf32>,
      tpu.vector_store %arg14[%swap3A_175], %bitcast3A_172 {add = true, strides = array<i32>} : memref<128xf32, #tpu.memory_space<vmem>>, vector<16xf32>,
      %swap3A_177 = arith.constant 96 : index
      %swap3A_178 = tpu.vector_load %arg15[%swap3A_177] {strides = array<i32>} : memref<128xf32, #tpu.memory_space<vmem>>, vector<16xf32>,
      tpu.vector_store %arg15[%swap3A_177], %bitcast3A_174 {add = true, strides = array<i32>} : memref<128xf32, #tpu.memory_space<vmem>>, vector<16xf32>,
      %get3A_179 = arith.constant 112 : index
      %get3A_180 = tpu.vector_load %arg6[%get3A_179] {strides = array<i32>} : memref<128xi32, #tpu.memory_space<vmem>>, vector<16xi32>,
      %shift_left3A_181 = arith.constant 16 : i32
      %shift_left3A_182 = vector.broadcast %shift_left3A_181 : i32 to vector<16xi32>
      %shift_left3A_183 = arith.shli %get3A_180, %shift_left3A_182 : vector<16xi32>
      %bitcast3A_184 = vector.bitcast %shift_left3A_183 : vector<16xi32> to vector<16xf32>
      %and3A_185 = arith.andi %get3A_180, %broadcast_in_dim3A_36 : vector<16xi32>
      %bitcast3A_186 = vector.bitcast %and3A_185 : vector<16xi32> to vector<16xf32>
      %swap3A_187 = arith.constant 112 : index
      %swap3A_188 = tpu.vector_load %arg14[%swap3A_187] {strides = array<i32>} : memref<128xf32, #tpu.memory_space<vmem>>, vector<16xf32>,
      tpu.vector_store %arg14[%swap3A_187], %bitcast3A_184 {add = true, strides = array<i32>} : memref<128xf32, #tpu.memory_space<vmem>>, vector<16xf32>,
      %swap3A_189 = arith.constant 112 : index
      %swap3A_190 = tpu.vector_load %arg15[%swap3A_189] {strides = array<i32>} : memref<128xf32, #tpu.memory_space<vmem>>, vector<16xf32>,
      tpu.vector_store %arg15[%swap3A_189], %bitcast3A_186 {add = true, strides = array<i32>} : memref<128xf32, #tpu.memory_space<vmem>>, vector<16xf32>,
      %add3A_191 = arith.constant 8 : i32
      %add3A_192 = arith.addi %add3A_94, %add3A_191 : i32
      %lt3A = arith.constant 200 : i32
      %lt3A_193 = arith.cmpi slt, %add3A_192, %lt3A : i32
      %convert_element_type3A = arith.extui %lt3A_193 : i1 to i32
      %cond3A = arith.constant 0 : i32
      %cond3A_194 = arith.cmpi ne, %convert_element_type3A, %cond3A : i32
      scf.if %cond3A_194 {
        %add3A_979 = arith.constant 8 : i32
        %add3A_980 = arith.addi %add3A_94, %add3A_979 : i32
        %dma_start3A_981 = arith.constant 0 : i32
        %dma_start3A_982 = tpu.memref_slice %arg5[%add3A_980, %dma_start3A_981] : memref<200x128xi32, #tpu.memory_space<vmem>> -> memref<1x128xi32, #tpu.memory_space<vmem>>
        %dma_start3A_983 = tpu.memref_squeeze %dma_start3A_982 : memref<1x128xi32, #tpu.memory_space<vmem>> -> memref<128xi32, #tpu.memory_space<vmem>>
        %dma_start3A_984 = arith.constant 0 : i32
        %dma_start3A_985 = tpu.memref_slice %arg3[%dma_start3A_984] : memref<1000000xi32, #tpu.memory_space<hbm>> -> memref<1000000xi32, #tpu.memory_space<hbm>>
        tpu.enqueue_indirect_dma source(%dma_start3A_985 : memref<1000000xi32, #tpu.memory_space<hbm>>) target(%arg6 : memref<128xi32, #tpu.memory_space<vmem>>) offsets(%dma_start3A_983 : memref<128xi32, #tpu.memory_space<vmem>>) semaphore(%arg16 : memref<!tpu.dma_semaphore, #tpu.memory_space<semaphore_mem>>)
      } else {
      }
      %mul3A_195 = arith.constant 8 : i32
      %mul3A_196 = arith.muli %scan3A_90, %mul3A_195 : i32
      %add3A_197 = arith.constant 1 : i32
      %add3A_198 = arith.addi %mul3A_196, %add3A_197 : i32
      %dma_wait3A_199 = arith.constant 0 : i32
      %dma_wait3A_200 = tpu.memref_slice %arg5[%add3A_198, %dma_wait3A_199] : memref<200x128xi32, #tpu.memory_space<vmem>> -> memref<1x128xi32, #tpu.memory_space<vmem>>
      %dma_wait3A_201 = tpu.memref_squeeze %dma_wait3A_200 : memref<1x128xi32, #tpu.memory_space<vmem>> -> memref<128xi32, #tpu.memory_space<vmem>>
      %dma_wait3A_202 = arith.constant 0 : i32
      %dma_wait3A_203 = tpu.memref_slice %arg3[%dma_wait3A_202] : memref<1000000xi32, #tpu.memory_space<hbm>> -> memref<1000000xi32, #tpu.memory_space<hbm>>
      tpu.wait_indirect_dma semaphore(%arg17 : memref<!tpu.dma_semaphore, #tpu.memory_space<semaphore_mem>>) src(%dma_wait3A_203 : memref<1000000xi32, #tpu.memory_space<hbm>>) dst(%arg7 : memref<128xi32, #tpu.memory_space<vmem>>)
      %get3A_204 = arith.constant 0 : index
      %get3A_205 = tpu.vector_load %arg7[%get3A_204] {strides = array<i32>} : memref<128xi32, #tpu.memory_space<vmem>>, vector<16xi32>,
      %shift_left3A_206 = arith.constant 16 : i32
      %shift_left3A_207 = vector.broadcast %shift_left3A_206 : i32 to vector<16xi32>
      %shift_left3A_208 = arith.shli %get3A_205, %shift_left3A_207 : vector<16xi32>
      %bitcast3A_209 = vector.bitcast %shift_left3A_208 : vector<16xi32> to vector<16xf32>
      %and3A_210 = arith.andi %get3A_205, %broadcast_in_dim3A_36 : vector<16xi32>
      %bitcast3A_211 = vector.bitcast %and3A_210 : vector<16xi32> to vector<16xf32>
      %swap3A_212 = arith.constant 0 : index
      %swap3A_213 = tpu.vector_load %arg14[%swap3A_212] {strides = array<i32>} : memref<128xf32, #tpu.memory_space<vmem>>, vector<16xf32>,
      tpu.vector_store %arg14[%swap3A_212], %bitcast3A_209 {add = true, strides = array<i32>} : memref<128xf32, #tpu.memory_space<vmem>>, vector<16xf32>,
      %swap3A_214 = arith.constant 0 : index
      %swap3A_215 = tpu.vector_load %arg15[%swap3A_214] {strides = array<i32>} : memref<128xf32, #tpu.memory_space<vmem>>, vector<16xf32>,
      tpu.vector_store %arg15[%swap3A_214], %bitcast3A_211 {add = true, strides = array<i32>} : memref<128xf32, #tpu.memory_space<vmem>>, vector<16xf32>,
      %get3A_216 = arith.constant 16 : index
      %get3A_217 = tpu.vector_load %arg7[%get3A_216] {strides = array<i32>} : memref<128xi32, #tpu.memory_space<vmem>>, vector<16xi32>,
      %shift_left3A_218 = arith.constant 16 : i32
      %shift_left3A_219 = vector.broadcast %shift_left3A_218 : i32 to vector<16xi32>
      %shift_left3A_220 = arith.shli %get3A_217, %shift_left3A_219 : vector<16xi32>
      %bitcast3A_221 = vector.bitcast %shift_left3A_220 : vector<16xi32> to vector<16xf32>
      %and3A_222 = arith.andi %get3A_217, %broadcast_in_dim3A_36 : vector<16xi32>
      %bitcast3A_223 = vector.bitcast %and3A_222 : vector<16xi32> to vector<16xf32>
      %swap3A_224 = arith.constant 16 : index
      %swap3A_225 = tpu.vector_load %arg14[%swap3A_224] {strides = array<i32>} : memref<128xf32, #tpu.memory_space<vmem>>, vector<16xf32>,
      tpu.vector_store %arg14[%swap3A_224], %bitcast3A_221 {add = true, strides = array<i32>} : memref<128xf32, #tpu.memory_space<vmem>>, vector<16xf32>,
      %swap3A_226 = arith.constant 16 : index
      %swap3A_227 = tpu.vector_load %arg15[%swap3A_226] {strides = array<i32>} : memref<128xf32, #tpu.memory_space<vmem>>, vector<16xf32>,
      tpu.vector_store %arg15[%swap3A_226], %bitcast3A_223 {add = true, strides = array<i32>} : memref<128xf32, #tpu.memory_space<vmem>>, vector<16xf32>,
      %get3A_228 = arith.constant 32 : index
      %get3A_229 = tpu.vector_load %arg7[%get3A_228] {strides = array<i32>} : memref<128xi32, #tpu.memory_space<vmem>>, vector<16xi32>,
      %shift_left3A_230 = arith.constant 16 : i32
      %shift_left3A_231 = vector.broadcast %shift_left3A_230 : i32 to vector<16xi32>
      %shift_left3A_232 = arith.shli %get3A_229, %shift_left3A_231 : vector<16xi32>
      %bitcast3A_233 = vector.bitcast %shift_left3A_232 : vector<16xi32> to vector<16xf32>
      %and3A_234 = arith.andi %get3A_229, %broadcast_in_dim3A_36 : vector<16xi32>
      %bitcast3A_235 = vector.bitcast %and3A_234 : vector<16xi32> to vector<16xf32>
      %swap3A_236 = arith.constant 32 : index
      %swap3A_237 = tpu.vector_load %arg14[%swap3A_236] {strides = array<i32>} : memref<128xf32, #tpu.memory_space<vmem>>, vector<16xf32>,
      tpu.vector_store %arg14[%swap3A_236], %bitcast3A_233 {add = true, strides = array<i32>} : memref<128xf32, #tpu.memory_space<vmem>>, vector<16xf32>,
      %swap3A_238 = arith.constant 32 : index
      %swap3A_239 = tpu.vector_load %arg15[%swap3A_238] {strides = array<i32>} : memref<128xf32, #tpu.memory_space<vmem>>, vector<16xf32>,
      tpu.vector_store %arg15[%swap3A_238], %bitcast3A_235 {add = true, strides = array<i32>} : memref<128xf32, #tpu.memory_space<vmem>>, vector<16xf32>,
      %get3A_240 = arith.constant 48 : index
      %get3A_241 = tpu.vector_load %arg7[%get3A_240] {strides = array<i32>} : memref<128xi32, #tpu.memory_space<vmem>>, vector<16xi32>,
      %shift_left3A_242 = arith.constant 16 : i32
      %shift_left3A_243 = vector.broadcast %shift_left3A_242 : i32 to vector<16xi32>
      %shift_left3A_244 = arith.shli %get3A_241, %shift_left3A_243 : vector<16xi32>
      %bitcast3A_245 = vector.bitcast %shift_left3A_244 : vector<16xi32> to vector<16xf32>
      %and3A_246 = arith.andi %get3A_241, %broadcast_in_dim3A_36 : vector<16xi32>
      %bitcast3A_247 = vector.bitcast %and3A_246 : vector<16xi32> to vector<16xf32>
      %swap3A_248 = arith.constant 48 : index
      %swap3A_249 = tpu.vector_load %arg14[%swap3A_248] {strides = array<i32>} : memref<128xf32, #tpu.memory_space<vmem>>, vector<16xf32>,
      tpu.vector_store %arg14[%swap3A_248], %bitcast3A_245 {add = true, strides = array<i32>} : memref<128xf32, #tpu.memory_space<vmem>>, vector<16xf32>,
      %swap3A_250 = arith.constant 48 : index
      %swap3A_251 = tpu.vector_load %arg15[%swap3A_250] {strides = array<i32>} : memref<128xf32, #tpu.memory_space<vmem>>, vector<16xf32>,
      tpu.vector_store %arg15[%swap3A_250], %bitcast3A_247 {add = true, strides = array<i32>} : memref<128xf32, #tpu.memory_space<vmem>>, vector<16xf32>,
      %get3A_252 = arith.constant 64 : index
      %get3A_253 = tpu.vector_load %arg7[%get3A_252] {strides = array<i32>} : memref<128xi32, #tpu.memory_space<vmem>>, vector<16xi32>,
      %shift_left3A_254 = arith.constant 16 : i32
      %shift_left3A_255 = vector.broadcast %shift_left3A_254 : i32 to vector<16xi32>
      %shift_left3A_256 = arith.shli %get3A_253, %shift_left3A_255 : vector<16xi32>
      %bitcast3A_257 = vector.bitcast %shift_left3A_256 : vector<16xi32> to vector<16xf32>
      %and3A_258 = arith.andi %get3A_253, %broadcast_in_dim3A_36 : vector<16xi32>
      %bitcast3A_259 = vector.bitcast %and3A_258 : vector<16xi32> to vector<16xf32>
      %swap3A_260 = arith.constant 64 : index
      %swap3A_261 = tpu.vector_load %arg14[%swap3A_260] {strides = array<i32>} : memref<128xf32, #tpu.memory_space<vmem>>, vector<16xf32>,
      tpu.vector_store %arg14[%swap3A_260], %bitcast3A_257 {add = true, strides = array<i32>} : memref<128xf32, #tpu.memory_space<vmem>>, vector<16xf32>,
      %swap3A_262 = arith.constant 64 : index
      %swap3A_263 = tpu.vector_load %arg15[%swap3A_262] {strides = array<i32>} : memref<128xf32, #tpu.memory_space<vmem>>, vector<16xf32>,
      tpu.vector_store %arg15[%swap3A_262], %bitcast3A_259 {add = true, strides = array<i32>} : memref<128xf32, #tpu.memory_space<vmem>>, vector<16xf32>,
      %get3A_264 = arith.constant 80 : index
      %get3A_265 = tpu.vector_load %arg7[%get3A_264] {strides = array<i32>} : memref<128xi32, #tpu.memory_space<vmem>>, vector<16xi32>,
      %shift_left3A_266 = arith.constant 16 : i32
      %shift_left3A_267 = vector.broadcast %shift_left3A_266 : i32 to vector<16xi32>
      %shift_left3A_268 = arith.shli %get3A_265, %shift_left3A_267 : vector<16xi32>
      %bitcast3A_269 = vector.bitcast %shift_left3A_268 : vector<16xi32> to vector<16xf32>
      %and3A_270 = arith.andi %get3A_265, %broadcast_in_dim3A_36 : vector<16xi32>
      %bitcast3A_271 = vector.bitcast %and3A_270 : vector<16xi32> to vector<16xf32>
      %swap3A_272 = arith.constant 80 : index
      %swap3A_273 = tpu.vector_load %arg14[%swap3A_272] {strides = array<i32>} : memref<128xf32, #tpu.memory_space<vmem>>, vector<16xf32>,
      tpu.vector_store %arg14[%swap3A_272], %bitcast3A_269 {add = true, strides = array<i32>} : memref<128xf32, #tpu.memory_space<vmem>>, vector<16xf32>,
      %swap3A_274 = arith.constant 80 : index
      %swap3A_275 = tpu.vector_load %arg15[%swap3A_274] {strides = array<i32>} : memref<128xf32, #tpu.memory_space<vmem>>, vector<16xf32>,
      tpu.vector_store %arg15[%swap3A_274], %bitcast3A_271 {add = true, strides = array<i32>} : memref<128xf32, #tpu.memory_space<vmem>>, vector<16xf32>,
      %get3A_276 = arith.constant 96 : index
      %get3A_277 = tpu.vector_load %arg7[%get3A_276] {strides = array<i32>} : memref<128xi32, #tpu.memory_space<vmem>>, vector<16xi32>,
      %shift_left3A_278 = arith.constant 16 : i32
      %shift_left3A_279 = vector.broadcast %shift_left3A_278 : i32 to vector<16xi32>
      %shift_left3A_280 = arith.shli %get3A_277, %shift_left3A_279 : vector<16xi32>
      %bitcast3A_281 = vector.bitcast %shift_left3A_280 : vector<16xi32> to vector<16xf32>
      %and3A_282 = arith.andi %get3A_277, %broadcast_in_dim3A_36 : vector<16xi32>
      %bitcast3A_283 = vector.bitcast %and3A_282 : vector<16xi32> to vector<16xf32>
      %swap3A_284 = arith.constant 96 : index
      %swap3A_285 = tpu.vector_load %arg14[%swap3A_284] {strides = array<i32>} : memref<128xf32, #tpu.memory_space<vmem>>, vector<16xf32>,
      tpu.vector_store %arg14[%swap3A_284], %bitcast3A_281 {add = true, strides = array<i32>} : memref<128xf32, #tpu.memory_space<vmem>>, vector<16xf32>,
      %swap3A_286 = arith.constant 96 : index
      %swap3A_287 = tpu.vector_load %arg15[%swap3A_286] {strides = array<i32>} : memref<128xf32, #tpu.memory_space<vmem>>, vector<16xf32>,
      tpu.vector_store %arg15[%swap3A_286], %bitcast3A_283 {add = true, strides = array<i32>} : memref<128xf32, #tpu.memory_space<vmem>>, vector<16xf32>,
      %get3A_288 = arith.constant 112 : index
      %get3A_289 = tpu.vector_load %arg7[%get3A_288] {strides = array<i32>} : memref<128xi32, #tpu.memory_space<vmem>>, vector<16xi32>,
      %shift_left3A_290 = arith.constant 16 : i32
      %shift_left3A_291 = vector.broadcast %shift_left3A_290 : i32 to vector<16xi32>
      %shift_left3A_292 = arith.shli %get3A_289, %shift_left3A_291 : vector<16xi32>
      %bitcast3A_293 = vector.bitcast %shift_left3A_292 : vector<16xi32> to vector<16xf32>
      %and3A_294 = arith.andi %get3A_289, %broadcast_in_dim3A_36 : vector<16xi32>
      %bitcast3A_295 = vector.bitcast %and3A_294 : vector<16xi32> to vector<16xf32>
      %swap3A_296 = arith.constant 112 : index
      %swap3A_297 = tpu.vector_load %arg14[%swap3A_296] {strides = array<i32>} : memref<128xf32, #tpu.memory_space<vmem>>, vector<16xf32>,
      tpu.vector_store %arg14[%swap3A_296], %bitcast3A_293 {add = true, strides = array<i32>} : memref<128xf32, #tpu.memory_space<vmem>>, vector<16xf32>,
      %swap3A_298 = arith.constant 112 : index
      %swap3A_299 = tpu.vector_load %arg15[%swap3A_298] {strides = array<i32>} : memref<128xf32, #tpu.memory_space<vmem>>, vector<16xf32>,
      tpu.vector_store %arg15[%swap3A_298], %bitcast3A_295 {add = true, strides = array<i32>} : memref<128xf32, #tpu.memory_space<vmem>>, vector<16xf32>,
      %add3A_300 = arith.constant 8 : i32
      %add3A_301 = arith.addi %add3A_198, %add3A_300 : i32
      %lt3A_302 = arith.constant 200 : i32
      %lt3A_303 = arith.cmpi slt, %add3A_301, %lt3A_302 : i32
      %convert_element_type3A_304 = arith.extui %lt3A_303 : i1 to i32
      %cond3A_305 = arith.constant 0 : i32
      %cond3A_306 = arith.cmpi ne, %convert_element_type3A_304, %cond3A_305 : i32
      scf.if %cond3A_306 {
        %add3A_979 = arith.constant 8 : i32
        %add3A_980 = arith.addi %add3A_198, %add3A_979 : i32
        %dma_start3A_981 = arith.constant 0 : i32
        %dma_start3A_982 = tpu.memref_slice %arg5[%add3A_980, %dma_start3A_981] : memref<200x128xi32, #tpu.memory_space<vmem>> -> memref<1x128xi32, #tpu.memory_space<vmem>>
        %dma_start3A_983 = tpu.memref_squeeze %dma_start3A_982 : memref<1x128xi32, #tpu.memory_space<vmem>> -> memref<128xi32, #tpu.memory_space<vmem>>
        %dma_start3A_984 = arith.constant 0 : i32
        %dma_start3A_985 = tpu.memref_slice %arg3[%dma_start3A_984] : memref<1000000xi32, #tpu.memory_space<hbm>> -> memref<1000000xi32, #tpu.memory_space<hbm>>
        tpu.enqueue_indirect_dma source(%dma_start3A_985 : memref<1000000xi32, #tpu.memory_space<hbm>>) target(%arg7 : memref<128xi32, #tpu.memory_space<vmem>>) offsets(%dma_start3A_983 : memref<128xi32, #tpu.memory_space<vmem>>) semaphore(%arg17 : memref<!tpu.dma_semaphore, #tpu.memory_space<semaphore_mem>>)
      } else {
      }
      %mul3A_307 = arith.constant 8 : i32
      %mul3A_308 = arith.muli %scan3A_90, %mul3A_307 : i32
      %add3A_309 = arith.constant 2 : i32
      %add3A_310 = arith.addi %mul3A_308, %add3A_309 : i32
      %dma_wait3A_311 = arith.constant 0 : i32
      %dma_wait3A_312 = tpu.memref_slice %arg5[%add3A_310, %dma_wait3A_311] : memref<200x128xi32, #tpu.memory_space<vmem>> -> memref<1x128xi32, #tpu.memory_space<vmem>>
      %dma_wait3A_313 = tpu.memref_squeeze %dma_wait3A_312 : memref<1x128xi32, #tpu.memory_space<vmem>> -> memref<128xi32, #tpu.memory_space<vmem>>
      %dma_wait3A_314 = arith.constant 0 : i32
      %dma_wait3A_315 = tpu.memref_slice %arg3[%dma_wait3A_314] : memref<1000000xi32, #tpu.memory_space<hbm>> -> memref<1000000xi32, #tpu.memory_space<hbm>>
      tpu.wait_indirect_dma semaphore(%arg18 : memref<!tpu.dma_semaphore, #tpu.memory_space<semaphore_mem>>) src(%dma_wait3A_315 : memref<1000000xi32, #tpu.memory_space<hbm>>) dst(%arg8 : memref<128xi32, #tpu.memory_space<vmem>>)
      %get3A_316 = arith.constant 0 : index
      %get3A_317 = tpu.vector_load %arg8[%get3A_316] {strides = array<i32>} : memref<128xi32, #tpu.memory_space<vmem>>, vector<16xi32>,
      %shift_left3A_318 = arith.constant 16 : i32
      %shift_left3A_319 = vector.broadcast %shift_left3A_318 : i32 to vector<16xi32>
      %shift_left3A_320 = arith.shli %get3A_317, %shift_left3A_319 : vector<16xi32>
      %bitcast3A_321 = vector.bitcast %shift_left3A_320 : vector<16xi32> to vector<16xf32>
      %and3A_322 = arith.andi %get3A_317, %broadcast_in_dim3A_36 : vector<16xi32>
      %bitcast3A_323 = vector.bitcast %and3A_322 : vector<16xi32> to vector<16xf32>
      %swap3A_324 = arith.constant 0 : index
      %swap3A_325 = tpu.vector_load %arg14[%swap3A_324] {strides = array<i32>} : memref<128xf32, #tpu.memory_space<vmem>>, vector<16xf32>,
      tpu.vector_store %arg14[%swap3A_324], %bitcast3A_321 {add = true, strides = array<i32>} : memref<128xf32, #tpu.memory_space<vmem>>, vector<16xf32>,
      %swap3A_326 = arith.constant 0 : index
      %swap3A_327 = tpu.vector_load %arg15[%swap3A_326] {strides = array<i32>} : memref<128xf32, #tpu.memory_space<vmem>>, vector<16xf32>,
      tpu.vector_store %arg15[%swap3A_326], %bitcast3A_323 {add = true, strides = array<i32>} : memref<128xf32, #tpu.memory_space<vmem>>, vector<16xf32>,
      %get3A_328 = arith.constant 16 : index
      %get3A_329 = tpu.vector_load %arg8[%get3A_328] {strides = array<i32>} : memref<128xi32, #tpu.memory_space<vmem>>, vector<16xi32>,
      %shift_left3A_330 = arith.constant 16 : i32
      %shift_left3A_331 = vector.broadcast %shift_left3A_330 : i32 to vector<16xi32>
      %shift_left3A_332 = arith.shli %get3A_329, %shift_left3A_331 : vector<16xi32>
      %bitcast3A_333 = vector.bitcast %shift_left3A_332 : vector<16xi32> to vector<16xf32>
      %and3A_334 = arith.andi %get3A_329, %broadcast_in_dim3A_36 : vector<16xi32>
      %bitcast3A_335 = vector.bitcast %and3A_334 : vector<16xi32> to vector<16xf32>
      %swap3A_336 = arith.constant 16 : index
      %swap3A_337 = tpu.vector_load %arg14[%swap3A_336] {strides = array<i32>} : memref<128xf32, #tpu.memory_space<vmem>>, vector<16xf32>,
      tpu.vector_store %arg14[%swap3A_336], %bitcast3A_333 {add = true, strides = array<i32>} : memref<128xf32, #tpu.memory_space<vmem>>, vector<16xf32>,
      %swap3A_338 = arith.constant 16 : index
      %swap3A_339 = tpu.vector_load %arg15[%swap3A_338] {strides = array<i32>} : memref<128xf32, #tpu.memory_space<vmem>>, vector<16xf32>,
      tpu.vector_store %arg15[%swap3A_338], %bitcast3A_335 {add = true, strides = array<i32>} : memref<128xf32, #tpu.memory_space<vmem>>, vector<16xf32>,
      %get3A_340 = arith.constant 32 : index
      %get3A_341 = tpu.vector_load %arg8[%get3A_340] {strides = array<i32>} : memref<128xi32, #tpu.memory_space<vmem>>, vector<16xi32>,
      %shift_left3A_342 = arith.constant 16 : i32
      %shift_left3A_343 = vector.broadcast %shift_left3A_342 : i32 to vector<16xi32>
      %shift_left3A_344 = arith.shli %get3A_341, %shift_left3A_343 : vector<16xi32>
      %bitcast3A_345 = vector.bitcast %shift_left3A_344 : vector<16xi32> to vector<16xf32>
      %and3A_346 = arith.andi %get3A_341, %broadcast_in_dim3A_36 : vector<16xi32>
      %bitcast3A_347 = vector.bitcast %and3A_346 : vector<16xi32> to vector<16xf32>
      %swap3A_348 = arith.constant 32 : index
      %swap3A_349 = tpu.vector_load %arg14[%swap3A_348] {strides = array<i32>} : memref<128xf32, #tpu.memory_space<vmem>>, vector<16xf32>,
      tpu.vector_store %arg14[%swap3A_348], %bitcast3A_345 {add = true, strides = array<i32>} : memref<128xf32, #tpu.memory_space<vmem>>, vector<16xf32>,
      %swap3A_350 = arith.constant 32 : index
      %swap3A_351 = tpu.vector_load %arg15[%swap3A_350] {strides = array<i32>} : memref<128xf32, #tpu.memory_space<vmem>>, vector<16xf32>,
      tpu.vector_store %arg15[%swap3A_350], %bitcast3A_347 {add = true, strides = array<i32>} : memref<128xf32, #tpu.memory_space<vmem>>, vector<16xf32>,
      %get3A_352 = arith.constant 48 : index
      %get3A_353 = tpu.vector_load %arg8[%get3A_352] {strides = array<i32>} : memref<128xi32, #tpu.memory_space<vmem>>, vector<16xi32>,
      %shift_left3A_354 = arith.constant 16 : i32
      %shift_left3A_355 = vector.broadcast %shift_left3A_354 : i32 to vector<16xi32>
      %shift_left3A_356 = arith.shli %get3A_353, %shift_left3A_355 : vector<16xi32>
      %bitcast3A_357 = vector.bitcast %shift_left3A_356 : vector<16xi32> to vector<16xf32>
      %and3A_358 = arith.andi %get3A_353, %broadcast_in_dim3A_36 : vector<16xi32>
      %bitcast3A_359 = vector.bitcast %and3A_358 : vector<16xi32> to vector<16xf32>
      %swap3A_360 = arith.constant 48 : index
      %swap3A_361 = tpu.vector_load %arg14[%swap3A_360] {strides = array<i32>} : memref<128xf32, #tpu.memory_space<vmem>>, vector<16xf32>,
      tpu.vector_store %arg14[%swap3A_360], %bitcast3A_357 {add = true, strides = array<i32>} : memref<128xf32, #tpu.memory_space<vmem>>, vector<16xf32>,
      %swap3A_362 = arith.constant 48 : index
      %swap3A_363 = tpu.vector_load %arg15[%swap3A_362] {strides = array<i32>} : memref<128xf32, #tpu.memory_space<vmem>>, vector<16xf32>,
      tpu.vector_store %arg15[%swap3A_362], %bitcast3A_359 {add = true, strides = array<i32>} : memref<128xf32, #tpu.memory_space<vmem>>, vector<16xf32>,
      %get3A_364 = arith.constant 64 : index
      %get3A_365 = tpu.vector_load %arg8[%get3A_364] {strides = array<i32>} : memref<128xi32, #tpu.memory_space<vmem>>, vector<16xi32>,
      %shift_left3A_366 = arith.constant 16 : i32
      %shift_left3A_367 = vector.broadcast %shift_left3A_366 : i32 to vector<16xi32>
      %shift_left3A_368 = arith.shli %get3A_365, %shift_left3A_367 : vector<16xi32>
      %bitcast3A_369 = vector.bitcast %shift_left3A_368 : vector<16xi32> to vector<16xf32>
      %and3A_370 = arith.andi %get3A_365, %broadcast_in_dim3A_36 : vector<16xi32>
      %bitcast3A_371 = vector.bitcast %and3A_370 : vector<16xi32> to vector<16xf32>
      %swap3A_372 = arith.constant 64 : index
      %swap3A_373 = tpu.vector_load %arg14[%swap3A_372] {strides = array<i32>} : memref<128xf32, #tpu.memory_space<vmem>>, vector<16xf32>,
      tpu.vector_store %arg14[%swap3A_372], %bitcast3A_369 {add = true, strides = array<i32>} : memref<128xf32, #tpu.memory_space<vmem>>, vector<16xf32>,
      %swap3A_374 = arith.constant 64 : index
      %swap3A_375 = tpu.vector_load %arg15[%swap3A_374] {strides = array<i32>} : memref<128xf32, #tpu.memory_space<vmem>>, vector<16xf32>,
      tpu.vector_store %arg15[%swap3A_374], %bitcast3A_371 {add = true, strides = array<i32>} : memref<128xf32, #tpu.memory_space<vmem>>, vector<16xf32>,
      %get3A_376 = arith.constant 80 : index
      %get3A_377 = tpu.vector_load %arg8[%get3A_376] {strides = array<i32>} : memref<128xi32, #tpu.memory_space<vmem>>, vector<16xi32>,
      %shift_left3A_378 = arith.constant 16 : i32
      %shift_left3A_379 = vector.broadcast %shift_left3A_378 : i32 to vector<16xi32>
      %shift_left3A_380 = arith.shli %get3A_377, %shift_left3A_379 : vector<16xi32>
      %bitcast3A_381 = vector.bitcast %shift_left3A_380 : vector<16xi32> to vector<16xf32>
      %and3A_382 = arith.andi %get3A_377, %broadcast_in_dim3A_36 : vector<16xi32>
      %bitcast3A_383 = vector.bitcast %and3A_382 : vector<16xi32> to vector<16xf32>
      %swap3A_384 = arith.constant 80 : index
      %swap3A_385 = tpu.vector_load %arg14[%swap3A_384] {strides = array<i32>} : memref<128xf32, #tpu.memory_space<vmem>>, vector<16xf32>,
      tpu.vector_store %arg14[%swap3A_384], %bitcast3A_381 {add = true, strides = array<i32>} : memref<128xf32, #tpu.memory_space<vmem>>, vector<16xf32>,
      %swap3A_386 = arith.constant 80 : index
      %swap3A_387 = tpu.vector_load %arg15[%swap3A_386] {strides = array<i32>} : memref<128xf32, #tpu.memory_space<vmem>>, vector<16xf32>,
      tpu.vector_store %arg15[%swap3A_386], %bitcast3A_383 {add = true, strides = array<i32>} : memref<128xf32, #tpu.memory_space<vmem>>, vector<16xf32>,
      %get3A_388 = arith.constant 96 : index
      %get3A_389 = tpu.vector_load %arg8[%get3A_388] {strides = array<i32>} : memref<128xi32, #tpu.memory_space<vmem>>, vector<16xi32>,
      %shift_left3A_390 = arith.constant 16 : i32
      %shift_left3A_391 = vector.broadcast %shift_left3A_390 : i32 to vector<16xi32>
      %shift_left3A_392 = arith.shli %get3A_389, %shift_left3A_391 : vector<16xi32>
      %bitcast3A_393 = vector.bitcast %shift_left3A_392 : vector<16xi32> to vector<16xf32>
      %and3A_394 = arith.andi %get3A_389, %broadcast_in_dim3A_36 : vector<16xi32>
      %bitcast3A_395 = vector.bitcast %and3A_394 : vector<16xi32> to vector<16xf32>
      %swap3A_396 = arith.constant 96 : index
      %swap3A_397 = tpu.vector_load %arg14[%swap3A_396] {strides = array<i32>} : memref<128xf32, #tpu.memory_space<vmem>>, vector<16xf32>,
      tpu.vector_store %arg14[%swap3A_396], %bitcast3A_393 {add = true, strides = array<i32>} : memref<128xf32, #tpu.memory_space<vmem>>, vector<16xf32>,
      %swap3A_398 = arith.constant 96 : index
      %swap3A_399 = tpu.vector_load %arg15[%swap3A_398] {strides = array<i32>} : memref<128xf32, #tpu.memory_space<vmem>>, vector<16xf32>,
      tpu.vector_store %arg15[%swap3A_398], %bitcast3A_395 {add = true, strides = array<i32>} : memref<128xf32, #tpu.memory_space<vmem>>, vector<16xf32>,
      %get3A_400 = arith.constant 112 : index
      %get3A_401 = tpu.vector_load %arg8[%get3A_400] {strides = array<i32>} : memref<128xi32, #tpu.memory_space<vmem>>, vector<16xi32>,
      %shift_left3A_402 = arith.constant 16 : i32
      %shift_left3A_403 = vector.broadcast %shift_left3A_402 : i32 to vector<16xi32>
      %shift_left3A_404 = arith.shli %get3A_401, %shift_left3A_403 : vector<16xi32>
      %bitcast3A_405 = vector.bitcast %shift_left3A_404 : vector<16xi32> to vector<16xf32>
      %and3A_406 = arith.andi %get3A_401, %broadcast_in_dim3A_36 : vector<16xi32>
      %bitcast3A_407 = vector.bitcast %and3A_406 : vector<16xi32> to vector<16xf32>
      %swap3A_408 = arith.constant 112 : index
      %swap3A_409 = tpu.vector_load %arg14[%swap3A_408] {strides = array<i32>} : memref<128xf32, #tpu.memory_space<vmem>>, vector<16xf32>,
      tpu.vector_store %arg14[%swap3A_408], %bitcast3A_405 {add = true, strides = array<i32>} : memref<128xf32, #tpu.memory_space<vmem>>, vector<16xf32>,
      %swap3A_410 = arith.constant 112 : index
      %swap3A_411 = tpu.vector_load %arg15[%swap3A_410] {strides = array<i32>} : memref<128xf32, #tpu.memory_space<vmem>>, vector<16xf32>,
      tpu.vector_store %arg15[%swap3A_410], %bitcast3A_407 {add = true, strides = array<i32>} : memref<128xf32, #tpu.memory_space<vmem>>, vector<16xf32>,
      %add3A_412 = arith.constant 8 : i32
      %add3A_413 = arith.addi %add3A_310, %add3A_412 : i32
      %lt3A_414 = arith.constant 200 : i32
      %lt3A_415 = arith.cmpi slt, %add3A_413, %lt3A_414 : i32
      %convert_element_type3A_416 = arith.extui %lt3A_415 : i1 to i32
      %cond3A_417 = arith.constant 0 : i32
      %cond3A_418 = arith.cmpi ne, %convert_element_type3A_416, %cond3A_417 : i32
      scf.if %cond3A_418 {
        %add3A_979 = arith.constant 8 : i32
        %add3A_980 = arith.addi %add3A_310, %add3A_979 : i32
        %dma_start3A_981 = arith.constant 0 : i32
        %dma_start3A_982 = tpu.memref_slice %arg5[%add3A_980, %dma_start3A_981] : memref<200x128xi32, #tpu.memory_space<vmem>> -> memref<1x128xi32, #tpu.memory_space<vmem>>
        %dma_start3A_983 = tpu.memref_squeeze %dma_start3A_982 : memref<1x128xi32, #tpu.memory_space<vmem>> -> memref<128xi32, #tpu.memory_space<vmem>>
        %dma_start3A_984 = arith.constant 0 : i32
        %dma_start3A_985 = tpu.memref_slice %arg3[%dma_start3A_984] : memref<1000000xi32, #tpu.memory_space<hbm>> -> memref<1000000xi32, #tpu.memory_space<hbm>>
        tpu.enqueue_indirect_dma source(%dma_start3A_985 : memref<1000000xi32, #tpu.memory_space<hbm>>) target(%arg8 : memref<128xi32, #tpu.memory_space<vmem>>) offsets(%dma_start3A_983 : memref<128xi32, #tpu.memory_space<vmem>>) semaphore(%arg18 : memref<!tpu.dma_semaphore, #tpu.memory_space<semaphore_mem>>)
      } else {
      }
      %mul3A_419 = arith.constant 8 : i32
      %mul3A_420 = arith.muli %scan3A_90, %mul3A_419 : i32
      %add3A_421 = arith.constant 3 : i32
      %add3A_422 = arith.addi %mul3A_420, %add3A_421 : i32
      %dma_wait3A_423 = arith.constant 0 : i32
      %dma_wait3A_424 = tpu.memref_slice %arg5[%add3A_422, %dma_wait3A_423] : memref<200x128xi32, #tpu.memory_space<vmem>> -> memref<1x128xi32, #tpu.memory_space<vmem>>
      %dma_wait3A_425 = tpu.memref_squeeze %dma_wait3A_424 : memref<1x128xi32, #tpu.memory_space<vmem>> -> memref<128xi32, #tpu.memory_space<vmem>>
      %dma_wait3A_426 = arith.constant 0 : i32
      %dma_wait3A_427 = tpu.memref_slice %arg3[%dma_wait3A_426] : memref<1000000xi32, #tpu.memory_space<hbm>> -> memref<1000000xi32, #tpu.memory_space<hbm>>
      tpu.wait_indirect_dma semaphore(%arg19 : memref<!tpu.dma_semaphore, #tpu.memory_space<semaphore_mem>>) src(%dma_wait3A_427 : memref<1000000xi32, #tpu.memory_space<hbm>>) dst(%arg9 : memref<128xi32, #tpu.memory_space<vmem>>)
      %get3A_428 = arith.constant 0 : index
      %get3A_429 = tpu.vector_load %arg9[%get3A_428] {strides = array<i32>} : memref<128xi32, #tpu.memory_space<vmem>>, vector<16xi32>,
      %shift_left3A_430 = arith.constant 16 : i32
      %shift_left3A_431 = vector.broadcast %shift_left3A_430 : i32 to vector<16xi32>
      %shift_left3A_432 = arith.shli %get3A_429, %shift_left3A_431 : vector<16xi32>
      %bitcast3A_433 = vector.bitcast %shift_left3A_432 : vector<16xi32> to vector<16xf32>
      %and3A_434 = arith.andi %get3A_429, %broadcast_in_dim3A_36 : vector<16xi32>
      %bitcast3A_435 = vector.bitcast %and3A_434 : vector<16xi32> to vector<16xf32>
      %swap3A_436 = arith.constant 0 : index
      %swap3A_437 = tpu.vector_load %arg14[%swap3A_436] {strides = array<i32>} : memref<128xf32, #tpu.memory_space<vmem>>, vector<16xf32>,
      tpu.vector_store %arg14[%swap3A_436], %bitcast3A_433 {add = true, strides = array<i32>} : memref<128xf32, #tpu.memory_space<vmem>>, vector<16xf32>,
      %swap3A_438 = arith.constant 0 : index
      %swap3A_439 = tpu.vector_load %arg15[%swap3A_438] {strides = array<i32>} : memref<128xf32, #tpu.memory_space<vmem>>, vector<16xf32>,
      tpu.vector_store %arg15[%swap3A_438], %bitcast3A_435 {add = true, strides = array<i32>} : memref<128xf32, #tpu.memory_space<vmem>>, vector<16xf32>,
      %get3A_440 = arith.constant 16 : index
      %get3A_441 = tpu.vector_load %arg9[%get3A_440] {strides = array<i32>} : memref<128xi32, #tpu.memory_space<vmem>>, vector<16xi32>,
      %shift_left3A_442 = arith.constant 16 : i32
      %shift_left3A_443 = vector.broadcast %shift_left3A_442 : i32 to vector<16xi32>
      %shift_left3A_444 = arith.shli %get3A_441, %shift_left3A_443 : vector<16xi32>
      %bitcast3A_445 = vector.bitcast %shift_left3A_444 : vector<16xi32> to vector<16xf32>
      %and3A_446 = arith.andi %get3A_441, %broadcast_in_dim3A_36 : vector<16xi32>
      %bitcast3A_447 = vector.bitcast %and3A_446 : vector<16xi32> to vector<16xf32>
      %swap3A_448 = arith.constant 16 : index
      %swap3A_449 = tpu.vector_load %arg14[%swap3A_448] {strides = array<i32>} : memref<128xf32, #tpu.memory_space<vmem>>, vector<16xf32>,
      tpu.vector_store %arg14[%swap3A_448], %bitcast3A_445 {add = true, strides = array<i32>} : memref<128xf32, #tpu.memory_space<vmem>>, vector<16xf32>,
      %swap3A_450 = arith.constant 16 : index
      %swap3A_451 = tpu.vector_load %arg15[%swap3A_450] {strides = array<i32>} : memref<128xf32, #tpu.memory_space<vmem>>, vector<16xf32>,
      tpu.vector_store %arg15[%swap3A_450], %bitcast3A_447 {add = true, strides = array<i32>} : memref<128xf32, #tpu.memory_space<vmem>>, vector<16xf32>,
      %get3A_452 = arith.constant 32 : index
      %get3A_453 = tpu.vector_load %arg9[%get3A_452] {strides = array<i32>} : memref<128xi32, #tpu.memory_space<vmem>>, vector<16xi32>,
      %shift_left3A_454 = arith.constant 16 : i32
      %shift_left3A_455 = vector.broadcast %shift_left3A_454 : i32 to vector<16xi32>
      %shift_left3A_456 = arith.shli %get3A_453, %shift_left3A_455 : vector<16xi32>
      %bitcast3A_457 = vector.bitcast %shift_left3A_456 : vector<16xi32> to vector<16xf32>
      %and3A_458 = arith.andi %get3A_453, %broadcast_in_dim3A_36 : vector<16xi32>
      %bitcast3A_459 = vector.bitcast %and3A_458 : vector<16xi32> to vector<16xf32>
      %swap3A_460 = arith.constant 32 : index
      %swap3A_461 = tpu.vector_load %arg14[%swap3A_460] {strides = array<i32>} : memref<128xf32, #tpu.memory_space<vmem>>, vector<16xf32>,
      tpu.vector_store %arg14[%swap3A_460], %bitcast3A_457 {add = true, strides = array<i32>} : memref<128xf32, #tpu.memory_space<vmem>>, vector<16xf32>,
      %swap3A_462 = arith.constant 32 : index
      %swap3A_463 = tpu.vector_load %arg15[%swap3A_462] {strides = array<i32>} : memref<128xf32, #tpu.memory_space<vmem>>, vector<16xf32>,
      tpu.vector_store %arg15[%swap3A_462], %bitcast3A_459 {add = true, strides = array<i32>} : memref<128xf32, #tpu.memory_space<vmem>>, vector<16xf32>,
      %get3A_464 = arith.constant 48 : index
      %get3A_465 = tpu.vector_load %arg9[%get3A_464] {strides = array<i32>} : memref<128xi32, #tpu.memory_space<vmem>>, vector<16xi32>,
      %shift_left3A_466 = arith.constant 16 : i32
      %shift_left3A_467 = vector.broadcast %shift_left3A_466 : i32 to vector<16xi32>
      %shift_left3A_468 = arith.shli %get3A_465, %shift_left3A_467 : vector<16xi32>
      %bitcast3A_469 = vector.bitcast %shift_left3A_468 : vector<16xi32> to vector<16xf32>
      %and3A_470 = arith.andi %get3A_465, %broadcast_in_dim3A_36 : vector<16xi32>
      %bitcast3A_471 = vector.bitcast %and3A_470 : vector<16xi32> to vector<16xf32>
      %swap3A_472 = arith.constant 48 : index
      %swap3A_473 = tpu.vector_load %arg14[%swap3A_472] {strides = array<i32>} : memref<128xf32, #tpu.memory_space<vmem>>, vector<16xf32>,
      tpu.vector_store %arg14[%swap3A_472], %bitcast3A_469 {add = true, strides = array<i32>} : memref<128xf32, #tpu.memory_space<vmem>>, vector<16xf32>,
      %swap3A_474 = arith.constant 48 : index
      %swap3A_475 = tpu.vector_load %arg15[%swap3A_474] {strides = array<i32>} : memref<128xf32, #tpu.memory_space<vmem>>, vector<16xf32>,
      tpu.vector_store %arg15[%swap3A_474], %bitcast3A_471 {add = true, strides = array<i32>} : memref<128xf32, #tpu.memory_space<vmem>>, vector<16xf32>,
      %get3A_476 = arith.constant 64 : index
      %get3A_477 = tpu.vector_load %arg9[%get3A_476] {strides = array<i32>} : memref<128xi32, #tpu.memory_space<vmem>>, vector<16xi32>,
      %shift_left3A_478 = arith.constant 16 : i32
      %shift_left3A_479 = vector.broadcast %shift_left3A_478 : i32 to vector<16xi32>
      %shift_left3A_480 = arith.shli %get3A_477, %shift_left3A_479 : vector<16xi32>
      %bitcast3A_481 = vector.bitcast %shift_left3A_480 : vector<16xi32> to vector<16xf32>
      %and3A_482 = arith.andi %get3A_477, %broadcast_in_dim3A_36 : vector<16xi32>
      %bitcast3A_483 = vector.bitcast %and3A_482 : vector<16xi32> to vector<16xf32>
      %swap3A_484 = arith.constant 64 : index
      %swap3A_485 = tpu.vector_load %arg14[%swap3A_484] {strides = array<i32>} : memref<128xf32, #tpu.memory_space<vmem>>, vector<16xf32>,
      tpu.vector_store %arg14[%swap3A_484], %bitcast3A_481 {add = true, strides = array<i32>} : memref<128xf32, #tpu.memory_space<vmem>>, vector<16xf32>,
      %swap3A_486 = arith.constant 64 : index
      %swap3A_487 = tpu.vector_load %arg15[%swap3A_486] {strides = array<i32>} : memref<128xf32, #tpu.memory_space<vmem>>, vector<16xf32>,
      tpu.vector_store %arg15[%swap3A_486], %bitcast3A_483 {add = true, strides = array<i32>} : memref<128xf32, #tpu.memory_space<vmem>>, vector<16xf32>,
      %get3A_488 = arith.constant 80 : index
      %get3A_489 = tpu.vector_load %arg9[%get3A_488] {strides = array<i32>} : memref<128xi32, #tpu.memory_space<vmem>>, vector<16xi32>,
      %shift_left3A_490 = arith.constant 16 : i32
      %shift_left3A_491 = vector.broadcast %shift_left3A_490 : i32 to vector<16xi32>
      %shift_left3A_492 = arith.shli %get3A_489, %shift_left3A_491 : vector<16xi32>
      %bitcast3A_493 = vector.bitcast %shift_left3A_492 : vector<16xi32> to vector<16xf32>
      %and3A_494 = arith.andi %get3A_489, %broadcast_in_dim3A_36 : vector<16xi32>
      %bitcast3A_495 = vector.bitcast %and3A_494 : vector<16xi32> to vector<16xf32>
      %swap3A_496 = arith.constant 80 : index
      %swap3A_497 = tpu.vector_load %arg14[%swap3A_496] {strides = array<i32>} : memref<128xf32, #tpu.memory_space<vmem>>, vector<16xf32>,
      tpu.vector_store %arg14[%swap3A_496], %bitcast3A_493 {add = true, strides = array<i32>} : memref<128xf32, #tpu.memory_space<vmem>>, vector<16xf32>,
      %swap3A_498 = arith.constant 80 : index
      %swap3A_499 = tpu.vector_load %arg15[%swap3A_498] {strides = array<i32>} : memref<128xf32, #tpu.memory_space<vmem>>, vector<16xf32>,
      tpu.vector_store %arg15[%swap3A_498], %bitcast3A_495 {add = true, strides = array<i32>} : memref<128xf32, #tpu.memory_space<vmem>>, vector<16xf32>,
      %get3A_500 = arith.constant 96 : index
      %get3A_501 = tpu.vector_load %arg9[%get3A_500] {strides = array<i32>} : memref<128xi32, #tpu.memory_space<vmem>>, vector<16xi32>,
      %shift_left3A_502 = arith.constant 16 : i32
      %shift_left3A_503 = vector.broadcast %shift_left3A_502 : i32 to vector<16xi32>
      %shift_left3A_504 = arith.shli %get3A_501, %shift_left3A_503 : vector<16xi32>
      %bitcast3A_505 = vector.bitcast %shift_left3A_504 : vector<16xi32> to vector<16xf32>
      %and3A_506 = arith.andi %get3A_501, %broadcast_in_dim3A_36 : vector<16xi32>
      %bitcast3A_507 = vector.bitcast %and3A_506 : vector<16xi32> to vector<16xf32>
      %swap3A_508 = arith.constant 96 : index
      %swap3A_509 = tpu.vector_load %arg14[%swap3A_508] {strides = array<i32>} : memref<128xf32, #tpu.memory_space<vmem>>, vector<16xf32>,
      tpu.vector_store %arg14[%swap3A_508], %bitcast3A_505 {add = true, strides = array<i32>} : memref<128xf32, #tpu.memory_space<vmem>>, vector<16xf32>,
      %swap3A_510 = arith.constant 96 : index
      %swap3A_511 = tpu.vector_load %arg15[%swap3A_510] {strides = array<i32>} : memref<128xf32, #tpu.memory_space<vmem>>, vector<16xf32>,
      tpu.vector_store %arg15[%swap3A_510], %bitcast3A_507 {add = true, strides = array<i32>} : memref<128xf32, #tpu.memory_space<vmem>>, vector<16xf32>,
      %get3A_512 = arith.constant 112 : index
      %get3A_513 = tpu.vector_load %arg9[%get3A_512] {strides = array<i32>} : memref<128xi32, #tpu.memory_space<vmem>>, vector<16xi32>,
      %shift_left3A_514 = arith.constant 16 : i32
      %shift_left3A_515 = vector.broadcast %shift_left3A_514 : i32 to vector<16xi32>
      %shift_left3A_516 = arith.shli %get3A_513, %shift_left3A_515 : vector<16xi32>
      %bitcast3A_517 = vector.bitcast %shift_left3A_516 : vector<16xi32> to vector<16xf32>
      %and3A_518 = arith.andi %get3A_513, %broadcast_in_dim3A_36 : vector<16xi32>
      %bitcast3A_519 = vector.bitcast %and3A_518 : vector<16xi32> to vector<16xf32>
      %swap3A_520 = arith.constant 112 : index
      %swap3A_521 = tpu.vector_load %arg14[%swap3A_520] {strides = array<i32>} : memref<128xf32, #tpu.memory_space<vmem>>, vector<16xf32>,
      tpu.vector_store %arg14[%swap3A_520], %bitcast3A_517 {add = true, strides = array<i32>} : memref<128xf32, #tpu.memory_space<vmem>>, vector<16xf32>,
      %swap3A_522 = arith.constant 112 : index
      %swap3A_523 = tpu.vector_load %arg15[%swap3A_522] {strides = array<i32>} : memref<128xf32, #tpu.memory_space<vmem>>, vector<16xf32>,
      tpu.vector_store %arg15[%swap3A_522], %bitcast3A_519 {add = true, strides = array<i32>} : memref<128xf32, #tpu.memory_space<vmem>>, vector<16xf32>,
      %add3A_524 = arith.constant 8 : i32
      %add3A_525 = arith.addi %add3A_422, %add3A_524 : i32
      %lt3A_526 = arith.constant 200 : i32
      %lt3A_527 = arith.cmpi slt, %add3A_525, %lt3A_526 : i32
      %convert_element_type3A_528 = arith.extui %lt3A_527 : i1 to i32
      %cond3A_529 = arith.constant 0 : i32
      %cond3A_530 = arith.cmpi ne, %convert_element_type3A_528, %cond3A_529 : i32
      scf.if %cond3A_530 {
        %add3A_979 = arith.constant 8 : i32
        %add3A_980 = arith.addi %add3A_422, %add3A_979 : i32
        %dma_start3A_981 = arith.constant 0 : i32
        %dma_start3A_982 = tpu.memref_slice %arg5[%add3A_980, %dma_start3A_981] : memref<200x128xi32, #tpu.memory_space<vmem>> -> memref<1x128xi32, #tpu.memory_space<vmem>>
        %dma_start3A_983 = tpu.memref_squeeze %dma_start3A_982 : memref<1x128xi32, #tpu.memory_space<vmem>> -> memref<128xi32, #tpu.memory_space<vmem>>
        %dma_start3A_984 = arith.constant 0 : i32
        %dma_start3A_985 = tpu.memref_slice %arg3[%dma_start3A_984] : memref<1000000xi32, #tpu.memory_space<hbm>> -> memref<1000000xi32, #tpu.memory_space<hbm>>
        tpu.enqueue_indirect_dma source(%dma_start3A_985 : memref<1000000xi32, #tpu.memory_space<hbm>>) target(%arg9 : memref<128xi32, #tpu.memory_space<vmem>>) offsets(%dma_start3A_983 : memref<128xi32, #tpu.memory_space<vmem>>) semaphore(%arg19 : memref<!tpu.dma_semaphore, #tpu.memory_space<semaphore_mem>>)
      } else {
      }
      %mul3A_531 = arith.constant 8 : i32
      %mul3A_532 = arith.muli %scan3A_90, %mul3A_531 : i32
      %add3A_533 = arith.constant 4 : i32
      %add3A_534 = arith.addi %mul3A_532, %add3A_533 : i32
      %dma_wait3A_535 = arith.constant 0 : i32
      %dma_wait3A_536 = tpu.memref_slice %arg5[%add3A_534, %dma_wait3A_535] : memref<200x128xi32, #tpu.memory_space<vmem>> -> memref<1x128xi32, #tpu.memory_space<vmem>>
      %dma_wait3A_537 = tpu.memref_squeeze %dma_wait3A_536 : memref<1x128xi32, #tpu.memory_space<vmem>> -> memref<128xi32, #tpu.memory_space<vmem>>
      %dma_wait3A_538 = arith.constant 0 : i32
      %dma_wait3A_539 = tpu.memref_slice %arg3[%dma_wait3A_538] : memref<1000000xi32, #tpu.memory_space<hbm>> -> memref<1000000xi32, #tpu.memory_space<hbm>>
      tpu.wait_indirect_dma semaphore(%arg20 : memref<!tpu.dma_semaphore, #tpu.memory_space<semaphore_mem>>) src(%dma_wait3A_539 : memref<1000000xi32, #tpu.memory_space<hbm>>) dst(%arg10 : memref<128xi32, #tpu.memory_space<vmem>>)
      %get3A_540 = arith.constant 0 : index
      %get3A_541 = tpu.vector_load %arg10[%get3A_540] {strides = array<i32>} : memref<128xi32, #tpu.memory_space<vmem>>, vector<16xi32>,
      %shift_left3A_542 = arith.constant 16 : i32
      %shift_left3A_543 = vector.broadcast %shift_left3A_542 : i32 to vector<16xi32>
      %shift_left3A_544 = arith.shli %get3A_541, %shift_left3A_543 : vector<16xi32>
      %bitcast3A_545 = vector.bitcast %shift_left3A_544 : vector<16xi32> to vector<16xf32>
      %and3A_546 = arith.andi %get3A_541, %broadcast_in_dim3A_36 : vector<16xi32>
      %bitcast3A_547 = vector.bitcast %and3A_546 : vector<16xi32> to vector<16xf32>
      %swap3A_548 = arith.constant 0 : index
      %swap3A_549 = tpu.vector_load %arg14[%swap3A_548] {strides = array<i32>} : memref<128xf32, #tpu.memory_space<vmem>>, vector<16xf32>,
      tpu.vector_store %arg14[%swap3A_548], %bitcast3A_545 {add = true, strides = array<i32>} : memref<128xf32, #tpu.memory_space<vmem>>, vector<16xf32>,
      %swap3A_550 = arith.constant 0 : index
      %swap3A_551 = tpu.vector_load %arg15[%swap3A_550] {strides = array<i32>} : memref<128xf32, #tpu.memory_space<vmem>>, vector<16xf32>,
      tpu.vector_store %arg15[%swap3A_550], %bitcast3A_547 {add = true, strides = array<i32>} : memref<128xf32, #tpu.memory_space<vmem>>, vector<16xf32>,
      %get3A_552 = arith.constant 16 : index
      %get3A_553 = tpu.vector_load %arg10[%get3A_552] {strides = array<i32>} : memref<128xi32, #tpu.memory_space<vmem>>, vector<16xi32>,
      %shift_left3A_554 = arith.constant 16 : i32
      %shift_left3A_555 = vector.broadcast %shift_left3A_554 : i32 to vector<16xi32>
      %shift_left3A_556 = arith.shli %get3A_553, %shift_left3A_555 : vector<16xi32>
      %bitcast3A_557 = vector.bitcast %shift_left3A_556 : vector<16xi32> to vector<16xf32>
      %and3A_558 = arith.andi %get3A_553, %broadcast_in_dim3A_36 : vector<16xi32>
      %bitcast3A_559 = vector.bitcast %and3A_558 : vector<16xi32> to vector<16xf32>
      %swap3A_560 = arith.constant 16 : index
      %swap3A_561 = tpu.vector_load %arg14[%swap3A_560] {strides = array<i32>} : memref<128xf32, #tpu.memory_space<vmem>>, vector<16xf32>,
      tpu.vector_store %arg14[%swap3A_560], %bitcast3A_557 {add = true, strides = array<i32>} : memref<128xf32, #tpu.memory_space<vmem>>, vector<16xf32>,
      %swap3A_562 = arith.constant 16 : index
      %swap3A_563 = tpu.vector_load %arg15[%swap3A_562] {strides = array<i32>} : memref<128xf32, #tpu.memory_space<vmem>>, vector<16xf32>,
      tpu.vector_store %arg15[%swap3A_562], %bitcast3A_559 {add = true, strides = array<i32>} : memref<128xf32, #tpu.memory_space<vmem>>, vector<16xf32>,
      %get3A_564 = arith.constant 32 : index
      %get3A_565 = tpu.vector_load %arg10[%get3A_564] {strides = array<i32>} : memref<128xi32, #tpu.memory_space<vmem>>, vector<16xi32>,
      %shift_left3A_566 = arith.constant 16 : i32
      %shift_left3A_567 = vector.broadcast %shift_left3A_566 : i32 to vector<16xi32>
      %shift_left3A_568 = arith.shli %get3A_565, %shift_left3A_567 : vector<16xi32>
      %bitcast3A_569 = vector.bitcast %shift_left3A_568 : vector<16xi32> to vector<16xf32>
      %and3A_570 = arith.andi %get3A_565, %broadcast_in_dim3A_36 : vector<16xi32>
      %bitcast3A_571 = vector.bitcast %and3A_570 : vector<16xi32> to vector<16xf32>
      %swap3A_572 = arith.constant 32 : index
      %swap3A_573 = tpu.vector_load %arg14[%swap3A_572] {strides = array<i32>} : memref<128xf32, #tpu.memory_space<vmem>>, vector<16xf32>,
      tpu.vector_store %arg14[%swap3A_572], %bitcast3A_569 {add = true, strides = array<i32>} : memref<128xf32, #tpu.memory_space<vmem>>, vector<16xf32>,
      %swap3A_574 = arith.constant 32 : index
      %swap3A_575 = tpu.vector_load %arg15[%swap3A_574] {strides = array<i32>} : memref<128xf32, #tpu.memory_space<vmem>>, vector<16xf32>,
      tpu.vector_store %arg15[%swap3A_574], %bitcast3A_571 {add = true, strides = array<i32>} : memref<128xf32, #tpu.memory_space<vmem>>, vector<16xf32>,
      %get3A_576 = arith.constant 48 : index
      %get3A_577 = tpu.vector_load %arg10[%get3A_576] {strides = array<i32>} : memref<128xi32, #tpu.memory_space<vmem>>, vector<16xi32>,
      %shift_left3A_578 = arith.constant 16 : i32
      %shift_left3A_579 = vector.broadcast %shift_left3A_578 : i32 to vector<16xi32>
      %shift_left3A_580 = arith.shli %get3A_577, %shift_left3A_579 : vector<16xi32>
      %bitcast3A_581 = vector.bitcast %shift_left3A_580 : vector<16xi32> to vector<16xf32>
      %and3A_582 = arith.andi %get3A_577, %broadcast_in_dim3A_36 : vector<16xi32>
      %bitcast3A_583 = vector.bitcast %and3A_582 : vector<16xi32> to vector<16xf32>
      %swap3A_584 = arith.constant 48 : index
      %swap3A_585 = tpu.vector_load %arg14[%swap3A_584] {strides = array<i32>} : memref<128xf32, #tpu.memory_space<vmem>>, vector<16xf32>,
      tpu.vector_store %arg14[%swap3A_584], %bitcast3A_581 {add = true, strides = array<i32>} : memref<128xf32, #tpu.memory_space<vmem>>, vector<16xf32>,
      %swap3A_586 = arith.constant 48 : index
      %swap3A_587 = tpu.vector_load %arg15[%swap3A_586] {strides = array<i32>} : memref<128xf32, #tpu.memory_space<vmem>>, vector<16xf32>,
      tpu.vector_store %arg15[%swap3A_586], %bitcast3A_583 {add = true, strides = array<i32>} : memref<128xf32, #tpu.memory_space<vmem>>, vector<16xf32>,
      %get3A_588 = arith.constant 64 : index
      %get3A_589 = tpu.vector_load %arg10[%get3A_588] {strides = array<i32>} : memref<128xi32, #tpu.memory_space<vmem>>, vector<16xi32>,
      %shift_left3A_590 = arith.constant 16 : i32
      %shift_left3A_591 = vector.broadcast %shift_left3A_590 : i32 to vector<16xi32>
      %shift_left3A_592 = arith.shli %get3A_589, %shift_left3A_591 : vector<16xi32>
      %bitcast3A_593 = vector.bitcast %shift_left3A_592 : vector<16xi32> to vector<16xf32>
      %and3A_594 = arith.andi %get3A_589, %broadcast_in_dim3A_36 : vector<16xi32>
      %bitcast3A_595 = vector.bitcast %and3A_594 : vector<16xi32> to vector<16xf32>
      %swap3A_596 = arith.constant 64 : index
      %swap3A_597 = tpu.vector_load %arg14[%swap3A_596] {strides = array<i32>} : memref<128xf32, #tpu.memory_space<vmem>>, vector<16xf32>,
      tpu.vector_store %arg14[%swap3A_596], %bitcast3A_593 {add = true, strides = array<i32>} : memref<128xf32, #tpu.memory_space<vmem>>, vector<16xf32>,
      %swap3A_598 = arith.constant 64 : index
      %swap3A_599 = tpu.vector_load %arg15[%swap3A_598] {strides = array<i32>} : memref<128xf32, #tpu.memory_space<vmem>>, vector<16xf32>,
      tpu.vector_store %arg15[%swap3A_598], %bitcast3A_595 {add = true, strides = array<i32>} : memref<128xf32, #tpu.memory_space<vmem>>, vector<16xf32>,
      %get3A_600 = arith.constant 80 : index
      %get3A_601 = tpu.vector_load %arg10[%get3A_600] {strides = array<i32>} : memref<128xi32, #tpu.memory_space<vmem>>, vector<16xi32>,
      %shift_left3A_602 = arith.constant 16 : i32
      %shift_left3A_603 = vector.broadcast %shift_left3A_602 : i32 to vector<16xi32>
      %shift_left3A_604 = arith.shli %get3A_601, %shift_left3A_603 : vector<16xi32>
      %bitcast3A_605 = vector.bitcast %shift_left3A_604 : vector<16xi32> to vector<16xf32>
      %and3A_606 = arith.andi %get3A_601, %broadcast_in_dim3A_36 : vector<16xi32>
      %bitcast3A_607 = vector.bitcast %and3A_606 : vector<16xi32> to vector<16xf32>
      %swap3A_608 = arith.constant 80 : index
      %swap3A_609 = tpu.vector_load %arg14[%swap3A_608] {strides = array<i32>} : memref<128xf32, #tpu.memory_space<vmem>>, vector<16xf32>,
      tpu.vector_store %arg14[%swap3A_608], %bitcast3A_605 {add = true, strides = array<i32>} : memref<128xf32, #tpu.memory_space<vmem>>, vector<16xf32>,
      %swap3A_610 = arith.constant 80 : index
      %swap3A_611 = tpu.vector_load %arg15[%swap3A_610] {strides = array<i32>} : memref<128xf32, #tpu.memory_space<vmem>>, vector<16xf32>,
      tpu.vector_store %arg15[%swap3A_610], %bitcast3A_607 {add = true, strides = array<i32>} : memref<128xf32, #tpu.memory_space<vmem>>, vector<16xf32>,
      %get3A_612 = arith.constant 96 : index
      %get3A_613 = tpu.vector_load %arg10[%get3A_612] {strides = array<i32>} : memref<128xi32, #tpu.memory_space<vmem>>, vector<16xi32>,
      %shift_left3A_614 = arith.constant 16 : i32
      %shift_left3A_615 = vector.broadcast %shift_left3A_614 : i32 to vector<16xi32>
      %shift_left3A_616 = arith.shli %get3A_613, %shift_left3A_615 : vector<16xi32>
      %bitcast3A_617 = vector.bitcast %shift_left3A_616 : vector<16xi32> to vector<16xf32>
      %and3A_618 = arith.andi %get3A_613, %broadcast_in_dim3A_36 : vector<16xi32>
      %bitcast3A_619 = vector.bitcast %and3A_618 : vector<16xi32> to vector<16xf32>
      %swap3A_620 = arith.constant 96 : index
      %swap3A_621 = tpu.vector_load %arg14[%swap3A_620] {strides = array<i32>} : memref<128xf32, #tpu.memory_space<vmem>>, vector<16xf32>,
      tpu.vector_store %arg14[%swap3A_620], %bitcast3A_617 {add = true, strides = array<i32>} : memref<128xf32, #tpu.memory_space<vmem>>, vector<16xf32>,
      %swap3A_622 = arith.constant 96 : index
      %swap3A_623 = tpu.vector_load %arg15[%swap3A_622] {strides = array<i32>} : memref<128xf32, #tpu.memory_space<vmem>>, vector<16xf32>,
      tpu.vector_store %arg15[%swap3A_622], %bitcast3A_619 {add = true, strides = array<i32>} : memref<128xf32, #tpu.memory_space<vmem>>, vector<16xf32>,
      %get3A_624 = arith.constant 112 : index
      %get3A_625 = tpu.vector_load %arg10[%get3A_624] {strides = array<i32>} : memref<128xi32, #tpu.memory_space<vmem>>, vector<16xi32>,
      %shift_left3A_626 = arith.constant 16 : i32
      %shift_left3A_627 = vector.broadcast %shift_left3A_626 : i32 to vector<16xi32>
      %shift_left3A_628 = arith.shli %get3A_625, %shift_left3A_627 : vector<16xi32>
      %bitcast3A_629 = vector.bitcast %shift_left3A_628 : vector<16xi32> to vector<16xf32>
      %and3A_630 = arith.andi %get3A_625, %broadcast_in_dim3A_36 : vector<16xi32>
      %bitcast3A_631 = vector.bitcast %and3A_630 : vector<16xi32> to vector<16xf32>
      %swap3A_632 = arith.constant 112 : index
      %swap3A_633 = tpu.vector_load %arg14[%swap3A_632] {strides = array<i32>} : memref<128xf32, #tpu.memory_space<vmem>>, vector<16xf32>,
      tpu.vector_store %arg14[%swap3A_632], %bitcast3A_629 {add = true, strides = array<i32>} : memref<128xf32, #tpu.memory_space<vmem>>, vector<16xf32>,
      %swap3A_634 = arith.constant 112 : index
      %swap3A_635 = tpu.vector_load %arg15[%swap3A_634] {strides = array<i32>} : memref<128xf32, #tpu.memory_space<vmem>>, vector<16xf32>,
      tpu.vector_store %arg15[%swap3A_634], %bitcast3A_631 {add = true, strides = array<i32>} : memref<128xf32, #tpu.memory_space<vmem>>, vector<16xf32>,
      %add3A_636 = arith.constant 8 : i32
      %add3A_637 = arith.addi %add3A_534, %add3A_636 : i32
      %lt3A_638 = arith.constant 200 : i32
      %lt3A_639 = arith.cmpi slt, %add3A_637, %lt3A_638 : i32
      %convert_element_type3A_640 = arith.extui %lt3A_639 : i1 to i32
      %cond3A_641 = arith.constant 0 : i32
      %cond3A_642 = arith.cmpi ne, %convert_element_type3A_640, %cond3A_641 : i32
      scf.if %cond3A_642 {
        %add3A_979 = arith.constant 8 : i32
        %add3A_980 = arith.addi %add3A_534, %add3A_979 : i32
        %dma_start3A_981 = arith.constant 0 : i32
        %dma_start3A_982 = tpu.memref_slice %arg5[%add3A_980, %dma_start3A_981] : memref<200x128xi32, #tpu.memory_space<vmem>> -> memref<1x128xi32, #tpu.memory_space<vmem>>
        %dma_start3A_983 = tpu.memref_squeeze %dma_start3A_982 : memref<1x128xi32, #tpu.memory_space<vmem>> -> memref<128xi32, #tpu.memory_space<vmem>>
        %dma_start3A_984 = arith.constant 0 : i32
        %dma_start3A_985 = tpu.memref_slice %arg3[%dma_start3A_984] : memref<1000000xi32, #tpu.memory_space<hbm>> -> memref<1000000xi32, #tpu.memory_space<hbm>>
        tpu.enqueue_indirect_dma source(%dma_start3A_985 : memref<1000000xi32, #tpu.memory_space<hbm>>) target(%arg10 : memref<128xi32, #tpu.memory_space<vmem>>) offsets(%dma_start3A_983 : memref<128xi32, #tpu.memory_space<vmem>>) semaphore(%arg20 : memref<!tpu.dma_semaphore, #tpu.memory_space<semaphore_mem>>)
      } else {
      }
      %mul3A_643 = arith.constant 8 : i32
      %mul3A_644 = arith.muli %scan3A_90, %mul3A_643 : i32
      %add3A_645 = arith.constant 5 : i32
      %add3A_646 = arith.addi %mul3A_644, %add3A_645 : i32
      %dma_wait3A_647 = arith.constant 0 : i32
      %dma_wait3A_648 = tpu.memref_slice %arg5[%add3A_646, %dma_wait3A_647] : memref<200x128xi32, #tpu.memory_space<vmem>> -> memref<1x128xi32, #tpu.memory_space<vmem>>
      %dma_wait3A_649 = tpu.memref_squeeze %dma_wait3A_648 : memref<1x128xi32, #tpu.memory_space<vmem>> -> memref<128xi32, #tpu.memory_space<vmem>>
      %dma_wait3A_650 = arith.constant 0 : i32
      %dma_wait3A_651 = tpu.memref_slice %arg3[%dma_wait3A_650] : memref<1000000xi32, #tpu.memory_space<hbm>> -> memref<1000000xi32, #tpu.memory_space<hbm>>
      tpu.wait_indirect_dma semaphore(%arg21 : memref<!tpu.dma_semaphore, #tpu.memory_space<semaphore_mem>>) src(%dma_wait3A_651 : memref<1000000xi32, #tpu.memory_space<hbm>>) dst(%arg11 : memref<128xi32, #tpu.memory_space<vmem>>)
      %get3A_652 = arith.constant 0 : index
      %get3A_653 = tpu.vector_load %arg11[%get3A_652] {strides = array<i32>} : memref<128xi32, #tpu.memory_space<vmem>>, vector<16xi32>,
      %shift_left3A_654 = arith.constant 16 : i32
      %shift_left3A_655 = vector.broadcast %shift_left3A_654 : i32 to vector<16xi32>
      %shift_left3A_656 = arith.shli %get3A_653, %shift_left3A_655 : vector<16xi32>
      %bitcast3A_657 = vector.bitcast %shift_left3A_656 : vector<16xi32> to vector<16xf32>
      %and3A_658 = arith.andi %get3A_653, %broadcast_in_dim3A_36 : vector<16xi32>
      %bitcast3A_659 = vector.bitcast %and3A_658 : vector<16xi32> to vector<16xf32>
      %swap3A_660 = arith.constant 0 : index
      %swap3A_661 = tpu.vector_load %arg14[%swap3A_660] {strides = array<i32>} : memref<128xf32, #tpu.memory_space<vmem>>, vector<16xf32>,
      tpu.vector_store %arg14[%swap3A_660], %bitcast3A_657 {add = true, strides = array<i32>} : memref<128xf32, #tpu.memory_space<vmem>>, vector<16xf32>,
      %swap3A_662 = arith.constant 0 : index
      %swap3A_663 = tpu.vector_load %arg15[%swap3A_662] {strides = array<i32>} : memref<128xf32, #tpu.memory_space<vmem>>, vector<16xf32>,
      tpu.vector_store %arg15[%swap3A_662], %bitcast3A_659 {add = true, strides = array<i32>} : memref<128xf32, #tpu.memory_space<vmem>>, vector<16xf32>,
      %get3A_664 = arith.constant 16 : index
      %get3A_665 = tpu.vector_load %arg11[%get3A_664] {strides = array<i32>} : memref<128xi32, #tpu.memory_space<vmem>>, vector<16xi32>,
      %shift_left3A_666 = arith.constant 16 : i32
      %shift_left3A_667 = vector.broadcast %shift_left3A_666 : i32 to vector<16xi32>
      %shift_left3A_668 = arith.shli %get3A_665, %shift_left3A_667 : vector<16xi32>
      %bitcast3A_669 = vector.bitcast %shift_left3A_668 : vector<16xi32> to vector<16xf32>
      %and3A_670 = arith.andi %get3A_665, %broadcast_in_dim3A_36 : vector<16xi32>
      %bitcast3A_671 = vector.bitcast %and3A_670 : vector<16xi32> to vector<16xf32>
      %swap3A_672 = arith.constant 16 : index
      %swap3A_673 = tpu.vector_load %arg14[%swap3A_672] {strides = array<i32>} : memref<128xf32, #tpu.memory_space<vmem>>, vector<16xf32>,
      tpu.vector_store %arg14[%swap3A_672], %bitcast3A_669 {add = true, strides = array<i32>} : memref<128xf32, #tpu.memory_space<vmem>>, vector<16xf32>,
      %swap3A_674 = arith.constant 16 : index
      %swap3A_675 = tpu.vector_load %arg15[%swap3A_674] {strides = array<i32>} : memref<128xf32, #tpu.memory_space<vmem>>, vector<16xf32>,
      tpu.vector_store %arg15[%swap3A_674], %bitcast3A_671 {add = true, strides = array<i32>} : memref<128xf32, #tpu.memory_space<vmem>>, vector<16xf32>,
      %get3A_676 = arith.constant 32 : index
      %get3A_677 = tpu.vector_load %arg11[%get3A_676] {strides = array<i32>} : memref<128xi32, #tpu.memory_space<vmem>>, vector<16xi32>,
      %shift_left3A_678 = arith.constant 16 : i32
      %shift_left3A_679 = vector.broadcast %shift_left3A_678 : i32 to vector<16xi32>
      %shift_left3A_680 = arith.shli %get3A_677, %shift_left3A_679 : vector<16xi32>
      %bitcast3A_681 = vector.bitcast %shift_left3A_680 : vector<16xi32> to vector<16xf32>
      %and3A_682 = arith.andi %get3A_677, %broadcast_in_dim3A_36 : vector<16xi32>
      %bitcast3A_683 = vector.bitcast %and3A_682 : vector<16xi32> to vector<16xf32>
      %swap3A_684 = arith.constant 32 : index
      %swap3A_685 = tpu.vector_load %arg14[%swap3A_684] {strides = array<i32>} : memref<128xf32, #tpu.memory_space<vmem>>, vector<16xf32>,
      tpu.vector_store %arg14[%swap3A_684], %bitcast3A_681 {add = true, strides = array<i32>} : memref<128xf32, #tpu.memory_space<vmem>>, vector<16xf32>,
      %swap3A_686 = arith.constant 32 : index
      %swap3A_687 = tpu.vector_load %arg15[%swap3A_686] {strides = array<i32>} : memref<128xf32, #tpu.memory_space<vmem>>, vector<16xf32>,
      tpu.vector_store %arg15[%swap3A_686], %bitcast3A_683 {add = true, strides = array<i32>} : memref<128xf32, #tpu.memory_space<vmem>>, vector<16xf32>,
      %get3A_688 = arith.constant 48 : index
      %get3A_689 = tpu.vector_load %arg11[%get3A_688] {strides = array<i32>} : memref<128xi32, #tpu.memory_space<vmem>>, vector<16xi32>,
      %shift_left3A_690 = arith.constant 16 : i32
      %shift_left3A_691 = vector.broadcast %shift_left3A_690 : i32 to vector<16xi32>
      %shift_left3A_692 = arith.shli %get3A_689, %shift_left3A_691 : vector<16xi32>
      %bitcast3A_693 = vector.bitcast %shift_left3A_692 : vector<16xi32> to vector<16xf32>
      %and3A_694 = arith.andi %get3A_689, %broadcast_in_dim3A_36 : vector<16xi32>
      %bitcast3A_695 = vector.bitcast %and3A_694 : vector<16xi32> to vector<16xf32>
      %swap3A_696 = arith.constant 48 : index
      %swap3A_697 = tpu.vector_load %arg14[%swap3A_696] {strides = array<i32>} : memref<128xf32, #tpu.memory_space<vmem>>, vector<16xf32>,
      tpu.vector_store %arg14[%swap3A_696], %bitcast3A_693 {add = true, strides = array<i32>} : memref<128xf32, #tpu.memory_space<vmem>>, vector<16xf32>,
      %swap3A_698 = arith.constant 48 : index
      %swap3A_699 = tpu.vector_load %arg15[%swap3A_698] {strides = array<i32>} : memref<128xf32, #tpu.memory_space<vmem>>, vector<16xf32>,
      tpu.vector_store %arg15[%swap3A_698], %bitcast3A_695 {add = true, strides = array<i32>} : memref<128xf32, #tpu.memory_space<vmem>>, vector<16xf32>,
      %get3A_700 = arith.constant 64 : index
      %get3A_701 = tpu.vector_load %arg11[%get3A_700] {strides = array<i32>} : memref<128xi32, #tpu.memory_space<vmem>>, vector<16xi32>,
      %shift_left3A_702 = arith.constant 16 : i32
      %shift_left3A_703 = vector.broadcast %shift_left3A_702 : i32 to vector<16xi32>
      %shift_left3A_704 = arith.shli %get3A_701, %shift_left3A_703 : vector<16xi32>
      %bitcast3A_705 = vector.bitcast %shift_left3A_704 : vector<16xi32> to vector<16xf32>
      %and3A_706 = arith.andi %get3A_701, %broadcast_in_dim3A_36 : vector<16xi32>
      %bitcast3A_707 = vector.bitcast %and3A_706 : vector<16xi32> to vector<16xf32>
      %swap3A_708 = arith.constant 64 : index
      %swap3A_709 = tpu.vector_load %arg14[%swap3A_708] {strides = array<i32>} : memref<128xf32, #tpu.memory_space<vmem>>, vector<16xf32>,
      tpu.vector_store %arg14[%swap3A_708], %bitcast3A_705 {add = true, strides = array<i32>} : memref<128xf32, #tpu.memory_space<vmem>>, vector<16xf32>,
      %swap3A_710 = arith.constant 64 : index
      %swap3A_711 = tpu.vector_load %arg15[%swap3A_710] {strides = array<i32>} : memref<128xf32, #tpu.memory_space<vmem>>, vector<16xf32>,
      tpu.vector_store %arg15[%swap3A_710], %bitcast3A_707 {add = true, strides = array<i32>} : memref<128xf32, #tpu.memory_space<vmem>>, vector<16xf32>,
      %get3A_712 = arith.constant 80 : index
      %get3A_713 = tpu.vector_load %arg11[%get3A_712] {strides = array<i32>} : memref<128xi32, #tpu.memory_space<vmem>>, vector<16xi32>,
      %shift_left3A_714 = arith.constant 16 : i32
      %shift_left3A_715 = vector.broadcast %shift_left3A_714 : i32 to vector<16xi32>
      %shift_left3A_716 = arith.shli %get3A_713, %shift_left3A_715 : vector<16xi32>
      %bitcast3A_717 = vector.bitcast %shift_left3A_716 : vector<16xi32> to vector<16xf32>
      %and3A_718 = arith.andi %get3A_713, %broadcast_in_dim3A_36 : vector<16xi32>
      %bitcast3A_719 = vector.bitcast %and3A_718 : vector<16xi32> to vector<16xf32>
      %swap3A_720 = arith.constant 80 : index
      %swap3A_721 = tpu.vector_load %arg14[%swap3A_720] {strides = array<i32>} : memref<128xf32, #tpu.memory_space<vmem>>, vector<16xf32>,
      tpu.vector_store %arg14[%swap3A_720], %bitcast3A_717 {add = true, strides = array<i32>} : memref<128xf32, #tpu.memory_space<vmem>>, vector<16xf32>,
      %swap3A_722 = arith.constant 80 : index
      %swap3A_723 = tpu.vector_load %arg15[%swap3A_722] {strides = array<i32>} : memref<128xf32, #tpu.memory_space<vmem>>, vector<16xf32>,
      tpu.vector_store %arg15[%swap3A_722], %bitcast3A_719 {add = true, strides = array<i32>} : memref<128xf32, #tpu.memory_space<vmem>>, vector<16xf32>,
      %get3A_724 = arith.constant 96 : index
      %get3A_725 = tpu.vector_load %arg11[%get3A_724] {strides = array<i32>} : memref<128xi32, #tpu.memory_space<vmem>>, vector<16xi32>,
      %shift_left3A_726 = arith.constant 16 : i32
      %shift_left3A_727 = vector.broadcast %shift_left3A_726 : i32 to vector<16xi32>
      %shift_left3A_728 = arith.shli %get3A_725, %shift_left3A_727 : vector<16xi32>
      %bitcast3A_729 = vector.bitcast %shift_left3A_728 : vector<16xi32> to vector<16xf32>
      %and3A_730 = arith.andi %get3A_725, %broadcast_in_dim3A_36 : vector<16xi32>
      %bitcast3A_731 = vector.bitcast %and3A_730 : vector<16xi32> to vector<16xf32>
      %swap3A_732 = arith.constant 96 : index
      %swap3A_733 = tpu.vector_load %arg14[%swap3A_732] {strides = array<i32>} : memref<128xf32, #tpu.memory_space<vmem>>, vector<16xf32>,
      tpu.vector_store %arg14[%swap3A_732], %bitcast3A_729 {add = true, strides = array<i32>} : memref<128xf32, #tpu.memory_space<vmem>>, vector<16xf32>,
      %swap3A_734 = arith.constant 96 : index
      %swap3A_735 = tpu.vector_load %arg15[%swap3A_734] {strides = array<i32>} : memref<128xf32, #tpu.memory_space<vmem>>, vector<16xf32>,
      tpu.vector_store %arg15[%swap3A_734], %bitcast3A_731 {add = true, strides = array<i32>} : memref<128xf32, #tpu.memory_space<vmem>>, vector<16xf32>,
      %get3A_736 = arith.constant 112 : index
      %get3A_737 = tpu.vector_load %arg11[%get3A_736] {strides = array<i32>} : memref<128xi32, #tpu.memory_space<vmem>>, vector<16xi32>,
      %shift_left3A_738 = arith.constant 16 : i32
      %shift_left3A_739 = vector.broadcast %shift_left3A_738 : i32 to vector<16xi32>
      %shift_left3A_740 = arith.shli %get3A_737, %shift_left3A_739 : vector<16xi32>
      %bitcast3A_741 = vector.bitcast %shift_left3A_740 : vector<16xi32> to vector<16xf32>
      %and3A_742 = arith.andi %get3A_737, %broadcast_in_dim3A_36 : vector<16xi32>
      %bitcast3A_743 = vector.bitcast %and3A_742 : vector<16xi32> to vector<16xf32>
      %swap3A_744 = arith.constant 112 : index
      %swap3A_745 = tpu.vector_load %arg14[%swap3A_744] {strides = array<i32>} : memref<128xf32, #tpu.memory_space<vmem>>, vector<16xf32>,
      tpu.vector_store %arg14[%swap3A_744], %bitcast3A_741 {add = true, strides = array<i32>} : memref<128xf32, #tpu.memory_space<vmem>>, vector<16xf32>,
      %swap3A_746 = arith.constant 112 : index
      %swap3A_747 = tpu.vector_load %arg15[%swap3A_746] {strides = array<i32>} : memref<128xf32, #tpu.memory_space<vmem>>, vector<16xf32>,
      tpu.vector_store %arg15[%swap3A_746], %bitcast3A_743 {add = true, strides = array<i32>} : memref<128xf32, #tpu.memory_space<vmem>>, vector<16xf32>,
      %add3A_748 = arith.constant 8 : i32
      %add3A_749 = arith.addi %add3A_646, %add3A_748 : i32
      %lt3A_750 = arith.constant 200 : i32
      %lt3A_751 = arith.cmpi slt, %add3A_749, %lt3A_750 : i32
      %convert_element_type3A_752 = arith.extui %lt3A_751 : i1 to i32
      %cond3A_753 = arith.constant 0 : i32
      %cond3A_754 = arith.cmpi ne, %convert_element_type3A_752, %cond3A_753 : i32
      scf.if %cond3A_754 {
        %add3A_979 = arith.constant 8 : i32
        %add3A_980 = arith.addi %add3A_646, %add3A_979 : i32
        %dma_start3A_981 = arith.constant 0 : i32
        %dma_start3A_982 = tpu.memref_slice %arg5[%add3A_980, %dma_start3A_981] : memref<200x128xi32, #tpu.memory_space<vmem>> -> memref<1x128xi32, #tpu.memory_space<vmem>>
        %dma_start3A_983 = tpu.memref_squeeze %dma_start3A_982 : memref<1x128xi32, #tpu.memory_space<vmem>> -> memref<128xi32, #tpu.memory_space<vmem>>
        %dma_start3A_984 = arith.constant 0 : i32
        %dma_start3A_985 = tpu.memref_slice %arg3[%dma_start3A_984] : memref<1000000xi32, #tpu.memory_space<hbm>> -> memref<1000000xi32, #tpu.memory_space<hbm>>
        tpu.enqueue_indirect_dma source(%dma_start3A_985 : memref<1000000xi32, #tpu.memory_space<hbm>>) target(%arg11 : memref<128xi32, #tpu.memory_space<vmem>>) offsets(%dma_start3A_983 : memref<128xi32, #tpu.memory_space<vmem>>) semaphore(%arg21 : memref<!tpu.dma_semaphore, #tpu.memory_space<semaphore_mem>>)
      } else {
      }
      %mul3A_755 = arith.constant 8 : i32
      %mul3A_756 = arith.muli %scan3A_90, %mul3A_755 : i32
      %add3A_757 = arith.constant 6 : i32
      %add3A_758 = arith.addi %mul3A_756, %add3A_757 : i32
      %dma_wait3A_759 = arith.constant 0 : i32
      %dma_wait3A_760 = tpu.memref_slice %arg5[%add3A_758, %dma_wait3A_759] : memref<200x128xi32, #tpu.memory_space<vmem>> -> memref<1x128xi32, #tpu.memory_space<vmem>>
      %dma_wait3A_761 = tpu.memref_squeeze %dma_wait3A_760 : memref<1x128xi32, #tpu.memory_space<vmem>> -> memref<128xi32, #tpu.memory_space<vmem>>
      %dma_wait3A_762 = arith.constant 0 : i32
      %dma_wait3A_763 = tpu.memref_slice %arg3[%dma_wait3A_762] : memref<1000000xi32, #tpu.memory_space<hbm>> -> memref<1000000xi32, #tpu.memory_space<hbm>>
      tpu.wait_indirect_dma semaphore(%arg22 : memref<!tpu.dma_semaphore, #tpu.memory_space<semaphore_mem>>) src(%dma_wait3A_763 : memref<1000000xi32, #tpu.memory_space<hbm>>) dst(%arg12 : memref<128xi32, #tpu.memory_space<vmem>>)
      %get3A_764 = arith.constant 0 : index
      %get3A_765 = tpu.vector_load %arg12[%get3A_764] {strides = array<i32>} : memref<128xi32, #tpu.memory_space<vmem>>, vector<16xi32>,
      %shift_left3A_766 = arith.constant 16 : i32
      %shift_left3A_767 = vector.broadcast %shift_left3A_766 : i32 to vector<16xi32>
      %shift_left3A_768 = arith.shli %get3A_765, %shift_left3A_767 : vector<16xi32>
      %bitcast3A_769 = vector.bitcast %shift_left3A_768 : vector<16xi32> to vector<16xf32>
      %and3A_770 = arith.andi %get3A_765, %broadcast_in_dim3A_36 : vector<16xi32>
      %bitcast3A_771 = vector.bitcast %and3A_770 : vector<16xi32> to vector<16xf32>
      %swap3A_772 = arith.constant 0 : index
      %swap3A_773 = tpu.vector_load %arg14[%swap3A_772] {strides = array<i32>} : memref<128xf32, #tpu.memory_space<vmem>>, vector<16xf32>,
      tpu.vector_store %arg14[%swap3A_772], %bitcast3A_769 {add = true, strides = array<i32>} : memref<128xf32, #tpu.memory_space<vmem>>, vector<16xf32>,
      %swap3A_774 = arith.constant 0 : index
      %swap3A_775 = tpu.vector_load %arg15[%swap3A_774] {strides = array<i32>} : memref<128xf32, #tpu.memory_space<vmem>>, vector<16xf32>,
      tpu.vector_store %arg15[%swap3A_774], %bitcast3A_771 {add = true, strides = array<i32>} : memref<128xf32, #tpu.memory_space<vmem>>, vector<16xf32>,
      %get3A_776 = arith.constant 16 : index
      %get3A_777 = tpu.vector_load %arg12[%get3A_776] {strides = array<i32>} : memref<128xi32, #tpu.memory_space<vmem>>, vector<16xi32>,
      %shift_left3A_778 = arith.constant 16 : i32
      %shift_left3A_779 = vector.broadcast %shift_left3A_778 : i32 to vector<16xi32>
      %shift_left3A_780 = arith.shli %get3A_777, %shift_left3A_779 : vector<16xi32>
      %bitcast3A_781 = vector.bitcast %shift_left3A_780 : vector<16xi32> to vector<16xf32>
      %and3A_782 = arith.andi %get3A_777, %broadcast_in_dim3A_36 : vector<16xi32>
      %bitcast3A_783 = vector.bitcast %and3A_782 : vector<16xi32> to vector<16xf32>
      %swap3A_784 = arith.constant 16 : index
      %swap3A_785 = tpu.vector_load %arg14[%swap3A_784] {strides = array<i32>} : memref<128xf32, #tpu.memory_space<vmem>>, vector<16xf32>,
      tpu.vector_store %arg14[%swap3A_784], %bitcast3A_781 {add = true, strides = array<i32>} : memref<128xf32, #tpu.memory_space<vmem>>, vector<16xf32>,
      %swap3A_786 = arith.constant 16 : index
      %swap3A_787 = tpu.vector_load %arg15[%swap3A_786] {strides = array<i32>} : memref<128xf32, #tpu.memory_space<vmem>>, vector<16xf32>,
      tpu.vector_store %arg15[%swap3A_786], %bitcast3A_783 {add = true, strides = array<i32>} : memref<128xf32, #tpu.memory_space<vmem>>, vector<16xf32>,
      %get3A_788 = arith.constant 32 : index
      %get3A_789 = tpu.vector_load %arg12[%get3A_788] {strides = array<i32>} : memref<128xi32, #tpu.memory_space<vmem>>, vector<16xi32>,
      %shift_left3A_790 = arith.constant 16 : i32
      %shift_left3A_791 = vector.broadcast %shift_left3A_790 : i32 to vector<16xi32>
      %shift_left3A_792 = arith.shli %get3A_789, %shift_left3A_791 : vector<16xi32>
      %bitcast3A_793 = vector.bitcast %shift_left3A_792 : vector<16xi32> to vector<16xf32>
      %and3A_794 = arith.andi %get3A_789, %broadcast_in_dim3A_36 : vector<16xi32>
      %bitcast3A_795 = vector.bitcast %and3A_794 : vector<16xi32> to vector<16xf32>
      %swap3A_796 = arith.constant 32 : index
      %swap3A_797 = tpu.vector_load %arg14[%swap3A_796] {strides = array<i32>} : memref<128xf32, #tpu.memory_space<vmem>>, vector<16xf32>,
      tpu.vector_store %arg14[%swap3A_796], %bitcast3A_793 {add = true, strides = array<i32>} : memref<128xf32, #tpu.memory_space<vmem>>, vector<16xf32>,
      %swap3A_798 = arith.constant 32 : index
      %swap3A_799 = tpu.vector_load %arg15[%swap3A_798] {strides = array<i32>} : memref<128xf32, #tpu.memory_space<vmem>>, vector<16xf32>,
      tpu.vector_store %arg15[%swap3A_798], %bitcast3A_795 {add = true, strides = array<i32>} : memref<128xf32, #tpu.memory_space<vmem>>, vector<16xf32>,
      %get3A_800 = arith.constant 48 : index
      %get3A_801 = tpu.vector_load %arg12[%get3A_800] {strides = array<i32>} : memref<128xi32, #tpu.memory_space<vmem>>, vector<16xi32>,
      %shift_left3A_802 = arith.constant 16 : i32
      %shift_left3A_803 = vector.broadcast %shift_left3A_802 : i32 to vector<16xi32>
      %shift_left3A_804 = arith.shli %get3A_801, %shift_left3A_803 : vector<16xi32>
      %bitcast3A_805 = vector.bitcast %shift_left3A_804 : vector<16xi32> to vector<16xf32>
      %and3A_806 = arith.andi %get3A_801, %broadcast_in_dim3A_36 : vector<16xi32>
      %bitcast3A_807 = vector.bitcast %and3A_806 : vector<16xi32> to vector<16xf32>
      %swap3A_808 = arith.constant 48 : index
      %swap3A_809 = tpu.vector_load %arg14[%swap3A_808] {strides = array<i32>} : memref<128xf32, #tpu.memory_space<vmem>>, vector<16xf32>,
      tpu.vector_store %arg14[%swap3A_808], %bitcast3A_805 {add = true, strides = array<i32>} : memref<128xf32, #tpu.memory_space<vmem>>, vector<16xf32>,
      %swap3A_810 = arith.constant 48 : index
      %swap3A_811 = tpu.vector_load %arg15[%swap3A_810] {strides = array<i32>} : memref<128xf32, #tpu.memory_space<vmem>>, vector<16xf32>,
      tpu.vector_store %arg15[%swap3A_810], %bitcast3A_807 {add = true, strides = array<i32>} : memref<128xf32, #tpu.memory_space<vmem>>, vector<16xf32>,
      %get3A_812 = arith.constant 64 : index
      %get3A_813 = tpu.vector_load %arg12[%get3A_812] {strides = array<i32>} : memref<128xi32, #tpu.memory_space<vmem>>, vector<16xi32>,
      %shift_left3A_814 = arith.constant 16 : i32
      %shift_left3A_815 = vector.broadcast %shift_left3A_814 : i32 to vector<16xi32>
      %shift_left3A_816 = arith.shli %get3A_813, %shift_left3A_815 : vector<16xi32>
      %bitcast3A_817 = vector.bitcast %shift_left3A_816 : vector<16xi32> to vector<16xf32>
      %and3A_818 = arith.andi %get3A_813, %broadcast_in_dim3A_36 : vector<16xi32>
      %bitcast3A_819 = vector.bitcast %and3A_818 : vector<16xi32> to vector<16xf32>
      %swap3A_820 = arith.constant 64 : index
      %swap3A_821 = tpu.vector_load %arg14[%swap3A_820] {strides = array<i32>} : memref<128xf32, #tpu.memory_space<vmem>>, vector<16xf32>,
      tpu.vector_store %arg14[%swap3A_820], %bitcast3A_817 {add = true, strides = array<i32>} : memref<128xf32, #tpu.memory_space<vmem>>, vector<16xf32>,
      %swap3A_822 = arith.constant 64 : index
      %swap3A_823 = tpu.vector_load %arg15[%swap3A_822] {strides = array<i32>} : memref<128xf32, #tpu.memory_space<vmem>>, vector<16xf32>,
      tpu.vector_store %arg15[%swap3A_822], %bitcast3A_819 {add = true, strides = array<i32>} : memref<128xf32, #tpu.memory_space<vmem>>, vector<16xf32>,
      %get3A_824 = arith.constant 80 : index
      %get3A_825 = tpu.vector_load %arg12[%get3A_824] {strides = array<i32>} : memref<128xi32, #tpu.memory_space<vmem>>, vector<16xi32>,
      %shift_left3A_826 = arith.constant 16 : i32
      %shift_left3A_827 = vector.broadcast %shift_left3A_826 : i32 to vector<16xi32>
      %shift_left3A_828 = arith.shli %get3A_825, %shift_left3A_827 : vector<16xi32>
      %bitcast3A_829 = vector.bitcast %shift_left3A_828 : vector<16xi32> to vector<16xf32>
      %and3A_830 = arith.andi %get3A_825, %broadcast_in_dim3A_36 : vector<16xi32>
      %bitcast3A_831 = vector.bitcast %and3A_830 : vector<16xi32> to vector<16xf32>
      %swap3A_832 = arith.constant 80 : index
      %swap3A_833 = tpu.vector_load %arg14[%swap3A_832] {strides = array<i32>} : memref<128xf32, #tpu.memory_space<vmem>>, vector<16xf32>,
      tpu.vector_store %arg14[%swap3A_832], %bitcast3A_829 {add = true, strides = array<i32>} : memref<128xf32, #tpu.memory_space<vmem>>, vector<16xf32>,
      %swap3A_834 = arith.constant 80 : index
      %swap3A_835 = tpu.vector_load %arg15[%swap3A_834] {strides = array<i32>} : memref<128xf32, #tpu.memory_space<vmem>>, vector<16xf32>,
      tpu.vector_store %arg15[%swap3A_834], %bitcast3A_831 {add = true, strides = array<i32>} : memref<128xf32, #tpu.memory_space<vmem>>, vector<16xf32>,
      %get3A_836 = arith.constant 96 : index
      %get3A_837 = tpu.vector_load %arg12[%get3A_836] {strides = array<i32>} : memref<128xi32, #tpu.memory_space<vmem>>, vector<16xi32>,
      %shift_left3A_838 = arith.constant 16 : i32
      %shift_left3A_839 = vector.broadcast %shift_left3A_838 : i32 to vector<16xi32>
      %shift_left3A_840 = arith.shli %get3A_837, %shift_left3A_839 : vector<16xi32>
      %bitcast3A_841 = vector.bitcast %shift_left3A_840 : vector<16xi32> to vector<16xf32>
      %and3A_842 = arith.andi %get3A_837, %broadcast_in_dim3A_36 : vector<16xi32>
      %bitcast3A_843 = vector.bitcast %and3A_842 : vector<16xi32> to vector<16xf32>
      %swap3A_844 = arith.constant 96 : index
      %swap3A_845 = tpu.vector_load %arg14[%swap3A_844] {strides = array<i32>} : memref<128xf32, #tpu.memory_space<vmem>>, vector<16xf32>,
      tpu.vector_store %arg14[%swap3A_844], %bitcast3A_841 {add = true, strides = array<i32>} : memref<128xf32, #tpu.memory_space<vmem>>, vector<16xf32>,
      %swap3A_846 = arith.constant 96 : index
      %swap3A_847 = tpu.vector_load %arg15[%swap3A_846] {strides = array<i32>} : memref<128xf32, #tpu.memory_space<vmem>>, vector<16xf32>,
      tpu.vector_store %arg15[%swap3A_846], %bitcast3A_843 {add = true, strides = array<i32>} : memref<128xf32, #tpu.memory_space<vmem>>, vector<16xf32>,
      %get3A_848 = arith.constant 112 : index
      %get3A_849 = tpu.vector_load %arg12[%get3A_848] {strides = array<i32>} : memref<128xi32, #tpu.memory_space<vmem>>, vector<16xi32>,
      %shift_left3A_850 = arith.constant 16 : i32
      %shift_left3A_851 = vector.broadcast %shift_left3A_850 : i32 to vector<16xi32>
      %shift_left3A_852 = arith.shli %get3A_849, %shift_left3A_851 : vector<16xi32>
      %bitcast3A_853 = vector.bitcast %shift_left3A_852 : vector<16xi32> to vector<16xf32>
      %and3A_854 = arith.andi %get3A_849, %broadcast_in_dim3A_36 : vector<16xi32>
      %bitcast3A_855 = vector.bitcast %and3A_854 : vector<16xi32> to vector<16xf32>
      %swap3A_856 = arith.constant 112 : index
      %swap3A_857 = tpu.vector_load %arg14[%swap3A_856] {strides = array<i32>} : memref<128xf32, #tpu.memory_space<vmem>>, vector<16xf32>,
      tpu.vector_store %arg14[%swap3A_856], %bitcast3A_853 {add = true, strides = array<i32>} : memref<128xf32, #tpu.memory_space<vmem>>, vector<16xf32>,
      %swap3A_858 = arith.constant 112 : index
      %swap3A_859 = tpu.vector_load %arg15[%swap3A_858] {strides = array<i32>} : memref<128xf32, #tpu.memory_space<vmem>>, vector<16xf32>,
      tpu.vector_store %arg15[%swap3A_858], %bitcast3A_855 {add = true, strides = array<i32>} : memref<128xf32, #tpu.memory_space<vmem>>, vector<16xf32>,
      %add3A_860 = arith.constant 8 : i32
      %add3A_861 = arith.addi %add3A_758, %add3A_860 : i32
      %lt3A_862 = arith.constant 200 : i32
      %lt3A_863 = arith.cmpi slt, %add3A_861, %lt3A_862 : i32
      %convert_element_type3A_864 = arith.extui %lt3A_863 : i1 to i32
      %cond3A_865 = arith.constant 0 : i32
      %cond3A_866 = arith.cmpi ne, %convert_element_type3A_864, %cond3A_865 : i32
      scf.if %cond3A_866 {
        %add3A_979 = arith.constant 8 : i32
        %add3A_980 = arith.addi %add3A_758, %add3A_979 : i32
        %dma_start3A_981 = arith.constant 0 : i32
        %dma_start3A_982 = tpu.memref_slice %arg5[%add3A_980, %dma_start3A_981] : memref<200x128xi32, #tpu.memory_space<vmem>> -> memref<1x128xi32, #tpu.memory_space<vmem>>
        %dma_start3A_983 = tpu.memref_squeeze %dma_start3A_982 : memref<1x128xi32, #tpu.memory_space<vmem>> -> memref<128xi32, #tpu.memory_space<vmem>>
        %dma_start3A_984 = arith.constant 0 : i32
        %dma_start3A_985 = tpu.memref_slice %arg3[%dma_start3A_984] : memref<1000000xi32, #tpu.memory_space<hbm>> -> memref<1000000xi32, #tpu.memory_space<hbm>>
        tpu.enqueue_indirect_dma source(%dma_start3A_985 : memref<1000000xi32, #tpu.memory_space<hbm>>) target(%arg12 : memref<128xi32, #tpu.memory_space<vmem>>) offsets(%dma_start3A_983 : memref<128xi32, #tpu.memory_space<vmem>>) semaphore(%arg22 : memref<!tpu.dma_semaphore, #tpu.memory_space<semaphore_mem>>)
      } else {
      }
      %mul3A_867 = arith.constant 8 : i32
      %mul3A_868 = arith.muli %scan3A_90, %mul3A_867 : i32
      %add3A_869 = arith.constant 7 : i32
      %add3A_870 = arith.addi %mul3A_868, %add3A_869 : i32
      %dma_wait3A_871 = arith.constant 0 : i32
      %dma_wait3A_872 = tpu.memref_slice %arg5[%add3A_870, %dma_wait3A_871] : memref<200x128xi32, #tpu.memory_space<vmem>> -> memref<1x128xi32, #tpu.memory_space<vmem>>
      %dma_wait3A_873 = tpu.memref_squeeze %dma_wait3A_872 : memref<1x128xi32, #tpu.memory_space<vmem>> -> memref<128xi32, #tpu.memory_space<vmem>>
      %dma_wait3A_874 = arith.constant 0 : i32
      %dma_wait3A_875 = tpu.memref_slice %arg3[%dma_wait3A_874] : memref<1000000xi32, #tpu.memory_space<hbm>> -> memref<1000000xi32, #tpu.memory_space<hbm>>
      tpu.wait_indirect_dma semaphore(%arg23 : memref<!tpu.dma_semaphore, #tpu.memory_space<semaphore_mem>>) src(%dma_wait3A_875 : memref<1000000xi32, #tpu.memory_space<hbm>>) dst(%arg13 : memref<128xi32, #tpu.memory_space<vmem>>)
      %get3A_876 = arith.constant 0 : index
      %get3A_877 = tpu.vector_load %arg13[%get3A_876] {strides = array<i32>} : memref<128xi32, #tpu.memory_space<vmem>>, vector<16xi32>,
      %shift_left3A_878 = arith.constant 16 : i32
      %shift_left3A_879 = vector.broadcast %shift_left3A_878 : i32 to vector<16xi32>
      %shift_left3A_880 = arith.shli %get3A_877, %shift_left3A_879 : vector<16xi32>
      %bitcast3A_881 = vector.bitcast %shift_left3A_880 : vector<16xi32> to vector<16xf32>
      %and3A_882 = arith.andi %get3A_877, %broadcast_in_dim3A_36 : vector<16xi32>
      %bitcast3A_883 = vector.bitcast %and3A_882 : vector<16xi32> to vector<16xf32>
      %swap3A_884 = arith.constant 0 : index
      %swap3A_885 = tpu.vector_load %arg14[%swap3A_884] {strides = array<i32>} : memref<128xf32, #tpu.memory_space<vmem>>, vector<16xf32>,
      tpu.vector_store %arg14[%swap3A_884], %bitcast3A_881 {add = true, strides = array<i32>} : memref<128xf32, #tpu.memory_space<vmem>>, vector<16xf32>,
      %swap3A_886 = arith.constant 0 : index
      %swap3A_887 = tpu.vector_load %arg15[%swap3A_886] {strides = array<i32>} : memref<128xf32, #tpu.memory_space<vmem>>, vector<16xf32>,
      tpu.vector_store %arg15[%swap3A_886], %bitcast3A_883 {add = true, strides = array<i32>} : memref<128xf32, #tpu.memory_space<vmem>>, vector<16xf32>,
      %get3A_888 = arith.constant 16 : index
      %get3A_889 = tpu.vector_load %arg13[%get3A_888] {strides = array<i32>} : memref<128xi32, #tpu.memory_space<vmem>>, vector<16xi32>,
      %shift_left3A_890 = arith.constant 16 : i32
      %shift_left3A_891 = vector.broadcast %shift_left3A_890 : i32 to vector<16xi32>
      %shift_left3A_892 = arith.shli %get3A_889, %shift_left3A_891 : vector<16xi32>
      %bitcast3A_893 = vector.bitcast %shift_left3A_892 : vector<16xi32> to vector<16xf32>
      %and3A_894 = arith.andi %get3A_889, %broadcast_in_dim3A_36 : vector<16xi32>
      %bitcast3A_895 = vector.bitcast %and3A_894 : vector<16xi32> to vector<16xf32>
      %swap3A_896 = arith.constant 16 : index
      %swap3A_897 = tpu.vector_load %arg14[%swap3A_896] {strides = array<i32>} : memref<128xf32, #tpu.memory_space<vmem>>, vector<16xf32>,
      tpu.vector_store %arg14[%swap3A_896], %bitcast3A_893 {add = true, strides = array<i32>} : memref<128xf32, #tpu.memory_space<vmem>>, vector<16xf32>,
      %swap3A_898 = arith.constant 16 : index
      %swap3A_899 = tpu.vector_load %arg15[%swap3A_898] {strides = array<i32>} : memref<128xf32, #tpu.memory_space<vmem>>, vector<16xf32>,
      tpu.vector_store %arg15[%swap3A_898], %bitcast3A_895 {add = true, strides = array<i32>} : memref<128xf32, #tpu.memory_space<vmem>>, vector<16xf32>,
      %get3A_900 = arith.constant 32 : index
      %get3A_901 = tpu.vector_load %arg13[%get3A_900] {strides = array<i32>} : memref<128xi32, #tpu.memory_space<vmem>>, vector<16xi32>,
      %shift_left3A_902 = arith.constant 16 : i32
      %shift_left3A_903 = vector.broadcast %shift_left3A_902 : i32 to vector<16xi32>
      %shift_left3A_904 = arith.shli %get3A_901, %shift_left3A_903 : vector<16xi32>
      %bitcast3A_905 = vector.bitcast %shift_left3A_904 : vector<16xi32> to vector<16xf32>
      %and3A_906 = arith.andi %get3A_901, %broadcast_in_dim3A_36 : vector<16xi32>
      %bitcast3A_907 = vector.bitcast %and3A_906 : vector<16xi32> to vector<16xf32>
      %swap3A_908 = arith.constant 32 : index
      %swap3A_909 = tpu.vector_load %arg14[%swap3A_908] {strides = array<i32>} : memref<128xf32, #tpu.memory_space<vmem>>, vector<16xf32>,
      tpu.vector_store %arg14[%swap3A_908], %bitcast3A_905 {add = true, strides = array<i32>} : memref<128xf32, #tpu.memory_space<vmem>>, vector<16xf32>,
      %swap3A_910 = arith.constant 32 : index
      %swap3A_911 = tpu.vector_load %arg15[%swap3A_910] {strides = array<i32>} : memref<128xf32, #tpu.memory_space<vmem>>, vector<16xf32>,
      tpu.vector_store %arg15[%swap3A_910], %bitcast3A_907 {add = true, strides = array<i32>} : memref<128xf32, #tpu.memory_space<vmem>>, vector<16xf32>,
      %get3A_912 = arith.constant 48 : index
      %get3A_913 = tpu.vector_load %arg13[%get3A_912] {strides = array<i32>} : memref<128xi32, #tpu.memory_space<vmem>>, vector<16xi32>,
      %shift_left3A_914 = arith.constant 16 : i32
      %shift_left3A_915 = vector.broadcast %shift_left3A_914 : i32 to vector<16xi32>
      %shift_left3A_916 = arith.shli %get3A_913, %shift_left3A_915 : vector<16xi32>
      %bitcast3A_917 = vector.bitcast %shift_left3A_916 : vector<16xi32> to vector<16xf32>
      %and3A_918 = arith.andi %get3A_913, %broadcast_in_dim3A_36 : vector<16xi32>
      %bitcast3A_919 = vector.bitcast %and3A_918 : vector<16xi32> to vector<16xf32>
      %swap3A_920 = arith.constant 48 : index
      %swap3A_921 = tpu.vector_load %arg14[%swap3A_920] {strides = array<i32>} : memref<128xf32, #tpu.memory_space<vmem>>, vector<16xf32>,
      tpu.vector_store %arg14[%swap3A_920], %bitcast3A_917 {add = true, strides = array<i32>} : memref<128xf32, #tpu.memory_space<vmem>>, vector<16xf32>,
      %swap3A_922 = arith.constant 48 : index
      %swap3A_923 = tpu.vector_load %arg15[%swap3A_922] {strides = array<i32>} : memref<128xf32, #tpu.memory_space<vmem>>, vector<16xf32>,
      tpu.vector_store %arg15[%swap3A_922], %bitcast3A_919 {add = true, strides = array<i32>} : memref<128xf32, #tpu.memory_space<vmem>>, vector<16xf32>,
      %get3A_924 = arith.constant 64 : index
      %get3A_925 = tpu.vector_load %arg13[%get3A_924] {strides = array<i32>} : memref<128xi32, #tpu.memory_space<vmem>>, vector<16xi32>,
      %shift_left3A_926 = arith.constant 16 : i32
      %shift_left3A_927 = vector.broadcast %shift_left3A_926 : i32 to vector<16xi32>
      %shift_left3A_928 = arith.shli %get3A_925, %shift_left3A_927 : vector<16xi32>
      %bitcast3A_929 = vector.bitcast %shift_left3A_928 : vector<16xi32> to vector<16xf32>
      %and3A_930 = arith.andi %get3A_925, %broadcast_in_dim3A_36 : vector<16xi32>
      %bitcast3A_931 = vector.bitcast %and3A_930 : vector<16xi32> to vector<16xf32>
      %swap3A_932 = arith.constant 64 : index
      %swap3A_933 = tpu.vector_load %arg14[%swap3A_932] {strides = array<i32>} : memref<128xf32, #tpu.memory_space<vmem>>, vector<16xf32>,
      tpu.vector_store %arg14[%swap3A_932], %bitcast3A_929 {add = true, strides = array<i32>} : memref<128xf32, #tpu.memory_space<vmem>>, vector<16xf32>,
      %swap3A_934 = arith.constant 64 : index
      %swap3A_935 = tpu.vector_load %arg15[%swap3A_934] {strides = array<i32>} : memref<128xf32, #tpu.memory_space<vmem>>, vector<16xf32>,
      tpu.vector_store %arg15[%swap3A_934], %bitcast3A_931 {add = true, strides = array<i32>} : memref<128xf32, #tpu.memory_space<vmem>>, vector<16xf32>,
      %get3A_936 = arith.constant 80 : index
      %get3A_937 = tpu.vector_load %arg13[%get3A_936] {strides = array<i32>} : memref<128xi32, #tpu.memory_space<vmem>>, vector<16xi32>,
      %shift_left3A_938 = arith.constant 16 : i32
      %shift_left3A_939 = vector.broadcast %shift_left3A_938 : i32 to vector<16xi32>
      %shift_left3A_940 = arith.shli %get3A_937, %shift_left3A_939 : vector<16xi32>
      %bitcast3A_941 = vector.bitcast %shift_left3A_940 : vector<16xi32> to vector<16xf32>
      %and3A_942 = arith.andi %get3A_937, %broadcast_in_dim3A_36 : vector<16xi32>
      %bitcast3A_943 = vector.bitcast %and3A_942 : vector<16xi32> to vector<16xf32>
      %swap3A_944 = arith.constant 80 : index
      %swap3A_945 = tpu.vector_load %arg14[%swap3A_944] {strides = array<i32>} : memref<128xf32, #tpu.memory_space<vmem>>, vector<16xf32>,
      tpu.vector_store %arg14[%swap3A_944], %bitcast3A_941 {add = true, strides = array<i32>} : memref<128xf32, #tpu.memory_space<vmem>>, vector<16xf32>,
      %swap3A_946 = arith.constant 80 : index
      %swap3A_947 = tpu.vector_load %arg15[%swap3A_946] {strides = array<i32>} : memref<128xf32, #tpu.memory_space<vmem>>, vector<16xf32>,
      tpu.vector_store %arg15[%swap3A_946], %bitcast3A_943 {add = true, strides = array<i32>} : memref<128xf32, #tpu.memory_space<vmem>>, vector<16xf32>,
      %get3A_948 = arith.constant 96 : index
      %get3A_949 = tpu.vector_load %arg13[%get3A_948] {strides = array<i32>} : memref<128xi32, #tpu.memory_space<vmem>>, vector<16xi32>,
      %shift_left3A_950 = arith.constant 16 : i32
      %shift_left3A_951 = vector.broadcast %shift_left3A_950 : i32 to vector<16xi32>
      %shift_left3A_952 = arith.shli %get3A_949, %shift_left3A_951 : vector<16xi32>
      %bitcast3A_953 = vector.bitcast %shift_left3A_952 : vector<16xi32> to vector<16xf32>
      %and3A_954 = arith.andi %get3A_949, %broadcast_in_dim3A_36 : vector<16xi32>
      %bitcast3A_955 = vector.bitcast %and3A_954 : vector<16xi32> to vector<16xf32>
      %swap3A_956 = arith.constant 96 : index
      %swap3A_957 = tpu.vector_load %arg14[%swap3A_956] {strides = array<i32>} : memref<128xf32, #tpu.memory_space<vmem>>, vector<16xf32>,
      tpu.vector_store %arg14[%swap3A_956], %bitcast3A_953 {add = true, strides = array<i32>} : memref<128xf32, #tpu.memory_space<vmem>>, vector<16xf32>,
      %swap3A_958 = arith.constant 96 : index
      %swap3A_959 = tpu.vector_load %arg15[%swap3A_958] {strides = array<i32>} : memref<128xf32, #tpu.memory_space<vmem>>, vector<16xf32>,
      tpu.vector_store %arg15[%swap3A_958], %bitcast3A_955 {add = true, strides = array<i32>} : memref<128xf32, #tpu.memory_space<vmem>>, vector<16xf32>,
      %get3A_960 = arith.constant 112 : index
      %get3A_961 = tpu.vector_load %arg13[%get3A_960] {strides = array<i32>} : memref<128xi32, #tpu.memory_space<vmem>>, vector<16xi32>,
      %shift_left3A_962 = arith.constant 16 : i32
      %shift_left3A_963 = vector.broadcast %shift_left3A_962 : i32 to vector<16xi32>
      %shift_left3A_964 = arith.shli %get3A_961, %shift_left3A_963 : vector<16xi32>
      %bitcast3A_965 = vector.bitcast %shift_left3A_964 : vector<16xi32> to vector<16xf32>
      %and3A_966 = arith.andi %get3A_961, %broadcast_in_dim3A_36 : vector<16xi32>
      %bitcast3A_967 = vector.bitcast %and3A_966 : vector<16xi32> to vector<16xf32>
      %swap3A_968 = arith.constant 112 : index
      %swap3A_969 = tpu.vector_load %arg14[%swap3A_968] {strides = array<i32>} : memref<128xf32, #tpu.memory_space<vmem>>, vector<16xf32>,
      tpu.vector_store %arg14[%swap3A_968], %bitcast3A_965 {add = true, strides = array<i32>} : memref<128xf32, #tpu.memory_space<vmem>>, vector<16xf32>,
      %swap3A_970 = arith.constant 112 : index
      %swap3A_971 = tpu.vector_load %arg15[%swap3A_970] {strides = array<i32>} : memref<128xf32, #tpu.memory_space<vmem>>, vector<16xf32>,
      tpu.vector_store %arg15[%swap3A_970], %bitcast3A_967 {add = true, strides = array<i32>} : memref<128xf32, #tpu.memory_space<vmem>>, vector<16xf32>,
      %add3A_972 = arith.constant 8 : i32
      %add3A_973 = arith.addi %add3A_870, %add3A_972 : i32
      %lt3A_974 = arith.constant 200 : i32
      %lt3A_975 = arith.cmpi slt, %add3A_973, %lt3A_974 : i32
      %convert_element_type3A_976 = arith.extui %lt3A_975 : i1 to i32
      %cond3A_977 = arith.constant 0 : i32
      %cond3A_978 = arith.cmpi ne, %convert_element_type3A_976, %cond3A_977 : i32
      scf.if %cond3A_978 {
        %add3A_979 = arith.constant 8 : i32
        %add3A_980 = arith.addi %add3A_870, %add3A_979 : i32
        %dma_start3A_981 = arith.constant 0 : i32
        %dma_start3A_982 = tpu.memref_slice %arg5[%add3A_980, %dma_start3A_981] : memref<200x128xi32, #tpu.memory_space<vmem>> -> memref<1x128xi32, #tpu.memory_space<vmem>>
        %dma_start3A_983 = tpu.memref_squeeze %dma_start3A_982 : memref<1x128xi32, #tpu.memory_space<vmem>> -> memref<128xi32, #tpu.memory_space<vmem>>
        %dma_start3A_984 = arith.constant 0 : i32
        %dma_start3A_985 = tpu.memref_slice %arg3[%dma_start3A_984] : memref<1000000xi32, #tpu.memory_space<hbm>> -> memref<1000000xi32, #tpu.memory_space<hbm>>
        tpu.enqueue_indirect_dma source(%dma_start3A_985 : memref<1000000xi32, #tpu.memory_space<hbm>>) target(%arg13 : memref<128xi32, #tpu.memory_space<vmem>>) offsets(%dma_start3A_983 : memref<128xi32, #tpu.memory_space<vmem>>) semaphore(%arg23 : memref<!tpu.dma_semaphore, #tpu.memory_space<semaphore_mem>>)
      } else {
      }
    }
    %scan3A_88 = arith.constant 25 : i32
    %run_scoped3A = arith.constant 0 : i32
    "tpu.region"() ({
      %run_scoped3A_90 = tpu.sem_alloc : memref<!tpu.dma_semaphore, #tpu.memory_space<semaphore_mem>>
      %dma_start3A_91 = tpu.memref_slice %arg4[%run_scoped3A, %mul3A_2] : memref<2x4096xf32, #tpu.memory_space<hbm>> -> memref<1x128xf32, #tpu.memory_space<hbm>>
      %dma_start3A_92 = tpu.memref_squeeze %dma_start3A_91 : memref<1x128xf32, #tpu.memory_space<hbm>> -> memref<128xf32, #tpu.memory_space<hbm>>
      %dma_start3A_93 = tpu.memref_slice %arg4[%run_scoped3A, %mul3A_2] : memref<2x4096xf32, #tpu.memory_space<hbm>> -> memref<1x128xf32, #tpu.memory_space<hbm>>
      %dma_start3A_94 = tpu.memref_squeeze %dma_start3A_93 : memref<1x128xf32, #tpu.memory_space<hbm>> -> memref<128xf32, #tpu.memory_space<hbm>>
      tpu.enqueue_dma source(%arg14 : memref<128xf32, #tpu.memory_space<vmem>>) target(%dma_start3A_94 : memref<128xf32, #tpu.memory_space<hbm>>) target_semaphore(%run_scoped3A_90 : memref<!tpu.dma_semaphore, #tpu.memory_space<semaphore_mem>>)
      %dma_wait3A = tpu.memref_slice %arg4[%run_scoped3A, %mul3A_2] : memref<2x4096xf32, #tpu.memory_space<hbm>> -> memref<1x128xf32, #tpu.memory_space<hbm>>
      %dma_wait3A_95 = tpu.memref_squeeze %dma_wait3A : memref<1x128xf32, #tpu.memory_space<hbm>> -> memref<128xf32, #tpu.memory_space<hbm>>
      %dma_wait3A_96 = tpu.memref_slice %arg4[%run_scoped3A, %mul3A_2] : memref<2x4096xf32, #tpu.memory_space<hbm>> -> memref<1x128xf32, #tpu.memory_space<hbm>>
      %dma_wait3A_97 = tpu.memref_squeeze %dma_wait3A_96 : memref<1x128xf32, #tpu.memory_space<hbm>> -> memref<128xf32, #tpu.memory_space<hbm>>
      tpu.wait_dma2 semaphore(%run_scoped3A_90 : memref<!tpu.dma_semaphore, #tpu.memory_space<semaphore_mem>>) src(%arg14 : memref<128xf32, #tpu.memory_space<vmem>>) dst(%dma_wait3A_97 : memref<128xf32, #tpu.memory_space<hbm>>)
      tpu.yield
    }) : () -> ()
    %run_scoped3A_89 = arith.constant 1 : i32
    "tpu.region"() ({
      %run_scoped3A_90 = tpu.sem_alloc : memref<!tpu.dma_semaphore, #tpu.memory_space<semaphore_mem>>
      %dma_start3A_91 = tpu.memref_slice %arg4[%run_scoped3A_89, %mul3A_2] : memref<2x4096xf32, #tpu.memory_space<hbm>> -> memref<1x128xf32, #tpu.memory_space<hbm>>
      %dma_start3A_92 = tpu.memref_squeeze %dma_start3A_91 : memref<1x128xf32, #tpu.memory_space<hbm>> -> memref<128xf32, #tpu.memory_space<hbm>>
      %dma_start3A_93 = tpu.memref_slice %arg4[%run_scoped3A_89, %mul3A_2] : memref<2x4096xf32, #tpu.memory_space<hbm>> -> memref<1x128xf32, #tpu.memory_space<hbm>>
      %dma_start3A_94 = tpu.memref_squeeze %dma_start3A_93 : memref<1x128xf32, #tpu.memory_space<hbm>> -> memref<128xf32, #tpu.memory_space<hbm>>
      tpu.enqueue_dma source(%arg15 : memref<128xf32, #tpu.memory_space<vmem>>) target(%dma_start3A_94 : memref<128xf32, #tpu.memory_space<hbm>>) target_semaphore(%run_scoped3A_90 : memref<!tpu.dma_semaphore, #tpu.memory_space<semaphore_mem>>)
      %dma_wait3A = tpu.memref_slice %arg4[%run_scoped3A_89, %mul3A_2] : memref<2x4096xf32, #tpu.memory_space<hbm>> -> memref<1x128xf32, #tpu.memory_space<hbm>>
      %dma_wait3A_95 = tpu.memref_squeeze %dma_wait3A : memref<1x128xf32, #tpu.memory_space<hbm>> -> memref<128xf32, #tpu.memory_space<hbm>>
      %dma_wait3A_96 = tpu.memref_slice %arg4[%run_scoped3A_89, %mul3A_2] : memref<2x4096xf32, #tpu.memory_space<hbm>> -> memref<1x128xf32, #tpu.memory_space<hbm>>
      %dma_wait3A_97 = tpu.memref_squeeze %dma_wait3A_96 : memref<1x128xf32, #tpu.memory_space<hbm>> -> memref<128xf32, #tpu.memory_space<hbm>>
      tpu.wait_dma2 semaphore(%run_scoped3A_90 : memref<!tpu.dma_semaphore, #tpu.memory_space<semaphore_mem>>) src(%arg15 : memref<128xf32, #tpu.memory_space<vmem>>) dst(%dma_wait3A_97 : memref<128xf32, #tpu.memory_space<hbm>>)
      tpu.yield
    }) : () -> ()
    return
  }
}

module attributes {stable_mosaic.version = 14 : i64} {
  func.func @_mm_body(%arg0: i32, %arg1: memref<64x2xf32, #tpu.memory_space<vmem>>, %arg2: memref<64x32768xf32, #tpu.memory_space<vmem>>, %arg3: memref<32768xi32, #tpu.memory_space<vmem>>) attributes {dimension_semantics = [#tpu.dimension_semantics<arbitrary>], iteration_bounds = array<i64: 31>, scalar_prefetch = 0 : i64, scratch_operands = 0 : i64, tpu.core_type = #tpu.core_type<tc>, window_params = [{pipeline_mode = #tpu.pipeline_mode<synchronous>, transform_indices = @transform_0, window_bounds = array<i64: 64, 2>}, {transform_indices = @transform_1, window_bounds = array<i64: 64, 32768>}, {transform_indices = @transform_2, window_bounds = array<i64: 32768>}]} {
    %get3A = arith.constant 0 : index
    %get3A_0 = arith.constant 0 : index
    %get3A_1 = vector.load %arg1[%get3A, %get3A_0] : memref<64x2xf32, #tpu.memory_space<vmem>>, vector<64x2xf32>
    %get3A_2 = arith.constant 0 : index
    %get3A_3 = arith.constant 0 : index
    %get3A_4 = vector.load %arg2[%get3A_2, %get3A_3] : memref<64x32768xf32, #tpu.memory_space<vmem>>, vector<64x32768xf32>
    %dot_general3A = arith.constant dense<0.000000e+00> : vector<2x32768xf32>
    %dot_general3A_5 = tpu.matmul %get3A_1, %get3A_4, %dot_general3A {dimension_numbers = #tpu.dot_dimension_numbers<[0], [0], [1], [1], [0, 1, 1, 1], [], []>, transpose_lhs_hint = false} : vector<64x2xf32>, vector<64x32768xf32>, vector<2x32768xf32> -> vector<2x32768xf32>
    %mul3A = arith.constant 5.000000e-03 : f32
    %mul3A_6 = vector.broadcast %mul3A : f32 to vector<2x32768xf32>
    %mul3A_7 = arith.mulf %dot_general3A_5, %mul3A_6 : vector<2x32768xf32>
    %convert_element_type3A = arith.truncf %mul3A_7 : vector<2x32768xf32> to vector<2x32768xbf16>
    %bitcast_convert_type3A = tpu.bitcast %convert_element_type3A : vector<2x32768xbf16> -> vector<2x32768xi16>
    %slice3A = vector.extract_strided_slice %bitcast_convert_type3A {offsets = [0, 0], sizes = [1, 32768], strides = [1, 1]} : vector<2x32768xi16> to vector<1x32768xi16>
    %squeeze3A = vector.shape_cast %slice3A : vector<1x32768xi16> to vector<32768xi16>
    %convert_element_type3A_8 = arith.extui %squeeze3A : vector<32768xi16> to vector<32768xi32>
    %slice3A_9 = vector.extract_strided_slice %bitcast_convert_type3A {offsets = [1, 0], sizes = [1, 32768], strides = [1, 1]} : vector<2x32768xi16> to vector<1x32768xi16>
    %squeeze3A_10 = vector.shape_cast %slice3A_9 : vector<1x32768xi16> to vector<32768xi16>
    %convert_element_type3A_11 = arith.extui %squeeze3A_10 : vector<32768xi16> to vector<32768xi32>
    %shift_left3A = arith.constant 16 : i32
    %shift_left3A_12 = vector.broadcast %shift_left3A : i32 to vector<32768xi32>
    %shift_left3A_13 = arith.shli %convert_element_type3A_11, %shift_left3A_12 : vector<32768xi32>
    %or3A = arith.ori %shift_left3A_13, %convert_element_type3A_8 : vector<32768xi32>
    %bitcast_convert_type3A_14 = tpu.bitcast %or3A : vector<32768xi32> -> vector<32768xi32>
    %swap3A = arith.constant 0 : index
    %swap3A_15 = vector.load %arg3[%swap3A] : memref<32768xi32, #tpu.memory_space<vmem>>, vector<32768xi32>
    tpu.vector_store %arg3[%swap3A], %bitcast_convert_type3A_14 {strides = array<i32>} : memref<32768xi32, #tpu.memory_space<vmem>>, vector<32768xi32>,
    return
  }
  func.func @transform_0(%arg0: i32) -> (i32, i32) {
    %c0_i32 = arith.constant 0 : i32
    %c0_i32_0 = arith.constant 0 : i32
    %c0_i32_1 = arith.constant 0 : i32
    return %c0_i32, %c0_i32_0 : i32, i32
  }
  func.func @transform_1(%arg0: i32) -> (i32, i32) {
    %c0_i32 = arith.constant 0 : i32
    %c0_i32_0 = arith.constant 0 : i32
    return %c0_i32, %arg0 : i32, i32
  }
  func.func @transform_2(%arg0: i32) -> i32 {
    %c0_i32 = arith.constant 0 : i32
    return %arg0 : i32
  }
}

</mosaic_0001>

<sc_bundles>
// kernel: kernel.4.cloned.1.call-start
scs
__scs_entry_jumppad:
0x0: {  	(pc) =	sbr.rel $0x88, $3  }
0x1: {  	(tag) =	ssettag $0x0;
	lr =	simm.s32 $0x1  }
0x2: {  	[smem:$0x3F9D] =	sst lr;
	_ =	strace $0xD0000000  }
0x3: {  	_ = 	snop  }
0x4: {  	_ = 	snop  }
0x5: {  	_ = 	snop  }
0x6: {  	_ = 	snop  }
0x7: {  	_ = 	snop  }
__scs_overlays_trampoline_lowered:
0x8: {  	[smem:$0x3FAC] =	sst s0  }
0x9: {  	[smem:$0x3FAD] =	sst s1  }
0xa: {  	[smem:$0x3FAE] =	sst s2  }
0xb: {  	[smem:$0x3FAF] =	sst s3  }
0xc: {  	[smem:$0x3FB0] =	sst s4  }
0xd: {  	[smem:$0x3FB1] =	sst s5  }
0xe: {  	[smem:$0x3FB2] =	sst s6  }
0xf: {  	[smem:$0x3FB3] =	sst s7  }
0x10: {  	[smem:$0x3FB4] =	sst s8  }
0x11: {  	[smem:$0x3FB5] =	sst s9;
	s0 =	simm.s32 @!p0 $0x0  }
0x12: {  	s1 =	sld [smem:$0x3F9B];
	s0 =	simm.s32 @p0 $0x1  }
0x13: {  	[smem:$0x3FB6] =	sst s0;
	s0 =	simm.s32 @!p1 $0x0  }
0x14: {  	s2 =	sld [smem:$0x3F9A];
	s0 =	simm.s32 @p1 $0x1  }
0x15: {  	[smem:$0x3FB7] =	sst s0;
	s0 =	simm.s32 @!p2 $0x0  }
0x16: {  	s3 =	sld [smem:$0x3FDB];
	s0 =	simm.s32 @p2 $0x1  }
0x17: {  	s4 =	simm.s32 $0x1BF5;
	[smem:$0x3FB9] =	sst s0  }
0x18: {  	s0 =	sld [smem:$0x3F9C];
	_ =	swait.ge [sflag:s4], $0x0  }
0x19: {  	s7 =	sld [smem:$0x3F9D]  }
0x1a: {  	s8 =	sadd.s32 $0xFFFFE003, lr  }
0x1b: {  	s9 =	sadd.s32 $0xFFFFFEF7, lr;
	s5 =	simm.s32 $0xFFFFFFFF;
	p2 =	slt.u32 s8, $0xFFFFF086  }
0x1c: {  	p1 =	slt.u32 s9, $0xF7A;
	s5 =	simm.s32 @!p2 $0x0  }
0x1d: {  	s5 =	simm.s32 @p1 $0x1;
	p0 =	seq.s32 s7, s2  }
0x1e: {  	s7 =	smul.u32 @!p0 $0xF7A, s2;
	p2 =	seq.s32 @!p0 s5, $0x0  }
0x1f: {  	s9 =	smul.u32 $0xF7A, s1;
	s8 =	simm.s32 @!p0 $0x1BF5;
	p2 =	por !p2, p0  }
0x20: {  	[sflag:s8] =	ssyncset.s32 @!p0 $0xFFFFF086;
	s6 =	sadd.s32 @!p0 s3, s7;
	s7 =	simm.s32 @!p0 $0x108  }
0x21: {  	s3 =	sadd.s32 s3, s9;
	s6 =	sadd.s32 @!p0 $0x88, s6;
	s7 =	simm.s32 @p2 $0x1082  }
0x22: {  	[simem:s7], [sflag:s8] =	dma.local @!p0 [hbm:s6], $0xF7A  }
0x23: {  	s9 =	sor.u32 $0xD0000000, s2;
	s6 =	simm.s32 $0x108;
	_ =	swait.ge @!p0 [sflag:s8], $0x0  }
0x24: {  	s3 =	sadd.s32 $0x88, s3;
	s6 =	simm.s32 @!p1 $0x1082;
	[sflag:s4] =	ssyncset.s32 $0xFFFFF086  }
0x25: {  	[simem:s6], [sflag:s4] =	dma.local [hbm:s3], $0xF7A  }
0x26: {  	[smem:$0x3F9D] =	sst s1;
	(tag) =	ssettag s2;
	_ =	strace s9  }
0x27: {  	s1 =	sld [smem:$0x3FAD]  }
0x28: {  	s2 =	sld [smem:$0x3FAE]  }
0x29: {  	s4 =	sld [smem:$0x3FB0]  }
0x2a: {  	p0 =	seq.s32 s5, $0x0;
	s5 =	sld [smem:$0x3FB1]  }
0x2b: {  	s6 =	sld [smem:$0x3FB2]  }
0x2c: {  	s7 =	sld [smem:$0x3FB3]  }
0x2d: {  	s3 =	simm.s32 $0x108;
	s8 =	sld [smem:$0x3FB4]  }
0x2e: {  	s3 =	simm.s32 @!p0 $0x1082;
	s9 =	sld [smem:$0x3FB5]  }
0x2f: {  	lr =	sadd.s32 s0, s3;
	s0 =	sld [smem:$0x3FAC]  }
0x30: {  	s3 =	sld [smem:$0x3FAF]  }
0x31: {  	[smem:$0x3FB8] =	sst s10  }
0x32: {  	s10 =	sld [smem:$0x3FB6];
	_ =	sdelay $0x3  }
0x33: {  	p0 =	seq.s32 s10, $0x1;
	s10 =	sld [smem:$0x3FB8];
	_ =	sdelay $0x3  }
0x34: {  	[smem:$0x3FB8] =	sst s10  }
0x35: {  	s10 =	sld [smem:$0x3FB7];
	_ =	sdelay $0x3  }
0x36: {  	p1 =	seq.s32 s10, $0x1;
	s10 =	sld [smem:$0x3FB8];
	_ =	sdelay $0x3  }
0x37: {  	[smem:$0x3FB8] =	sst s10  }
0x38: {  	s10 =	sld [smem:$0x3FB9]  }
0x39: {  	_ = 	snop;
	(pc) =	sbr.ind lr, $3  }
0x3a: {  	_ = 	snop  }
0x3b: {  	_ = 	snop  }
0x3c: {  	p2 =	seq.s32 s10, $0x1;
	s10 =	sld [smem:$0x3FB8]  }
0x3d: {  	_ =	shalt  }
0x3e: {  	_ =	shalt  }
0x3f: {  	_ =	shalt  }
0x40: {  	_ =	shalt  }
0x41: {  	_ =	shalt  }
0x42: {  	_ =	shalt  }
0x43: {  	_ =	shalt  }
0x44: {  	_ =	shalt  }
0x45: {  	_ =	shalt  }
0x46: {  	_ =	shalt  }
0x47: {  	_ =	shalt  }
0x48: {  	_ =	shalt  }
0x49: {  	_ =	shalt  }
0x4a: {  	_ =	shalt  }
0x4b: {  	_ =	shalt  }
0x4c: {  	_ =	shalt  }
0x4d: {  	_ =	shalt  }
0x4e: {  	_ =	shalt  }
0x4f: {  	_ =	shalt  }
0x50: {  	_ =	shalt  }
0x51: {  	_ =	shalt  }
0x52: {  	_ =	shalt  }
0x53: {  	_ =	shalt  }
0x54: {  	_ =	shalt  }
0x55: {  	_ =	shalt  }
0x56: {  	_ =	shalt  }
0x57: {  	_ =	shalt  }
0x58: {  	_ =	shalt  }
0x59: {  	_ =	shalt  }
0x5a: {  	_ =	shalt  }
0x5b: {  	_ =	shalt  }
0x5c: {  	_ =	shalt  }
0x5d: {  	_ =	shalt  }
0x5e: {  	_ =	shalt  }
0x5f: {  	_ =	shalt  }
0x60: {  	_ =	shalt  }
0x61: {  	_ =	shalt  }
0x62: {  	_ =	shalt  }
0x63: {  	_ =	shalt  }
0x64: {  	_ =	shalt  }
0x65: {  	_ =	shalt  }
0x66: {  	_ =	shalt  }
0x67: {  	_ =	shalt  }
0x68: {  	_ =	shalt  }
0x69: {  	_ =	shalt  }
0x6a: {  	_ =	shalt  }
0x6b: {  	_ =	shalt  }
0x6c: {  	_ =	shalt  }
0x6d: {  	_ =	shalt  }
0x6e: {  	_ =	shalt  }
0x6f: {  	_ =	shalt  }
0x70: {  	_ =	shalt  }
0x71: {  	_ =	shalt  }
0x72: {  	_ =	shalt  }
0x73: {  	_ =	shalt  }
0x74: {  	_ =	shalt  }
0x75: {  	_ =	shalt  }
0x76: {  	_ =	shalt  }
0x77: {  	_ =	shalt  }
0x78: {  	_ =	shalt  }
0x79: {  	_ =	shalt  }
0x7a: {  	_ =	shalt  }
0x7b: {  	_ =	shalt  }
0x7c: {  	_ =	shalt  }
0x7d: {  	_ =	shalt  }
0x7e: {  	_ =	shalt  }
0x7f: {  	_ =	shalt  }
0x80: {  	_ =	shalt  }
0x81: {  	_ =	shalt  }
0x82: {  	_ =	shalt  }
0x83: {  	_ =	shalt  }
0x84: {  	_ =	shalt  }
0x85: {  	_ =	shalt  }
0x86: {  	_ =	shalt  }
0x87: {  	_ =	shalt  }
.Lfunc_end0:
.L_simem_size_0:
called_computation_lowered:
.L_overlay_start_0:
0x88: {  	s2 =	sld [smem:$0x3FD9]  }
0x89: {  	s3 =	sld [smem:$0x3FFE];
	_ =	sdelay $0x1  }
0x8a: {  	s1 =	srdreg.scid  }
0x8b: {  	s0 =	sand.u32 $0x1, s1  }
0x8c: {  	s17 =	sshll.u32 s0, $0xA;
	s2 =	sadd.s32 s3, s2  }
0x8d: {  	s2 =	sadd.s32 s2, s17  }
0x8e: {  	[smem:$0x3FC4] =	sst s2  }
0x8f: {  	_ = 	snop  }
0x90: {  	s2 =	sld [smem:$0x3FC9]  }
0x91: {  	s18 =	sld [smem:$0x3FD0];
	(tm) =	ssettm $0x1  }
0x92: {  	s4 =	sld [smem:$0x3FFB];
	_ =	sdelay $0x3  }
0x93: {  	_ =	strace s4  }
0x94: {  	s4 =	sld [smem:$0x3FFC];
	_ =	sdelay $0x3  }
0x95: {  	_ =	strace s4  }
0x96: {  	s4 =	sld [smem:$0x3FFD];
	_ =	sdelay $0x3  }
0x97: {  	_ =	strace s4  }
0x98: {  	_ =	strace $0x8FFFFFFF  }
0x99: {  	s19 =	sld [smem:$0x3FDB];
	_ =	sdelay $0x1  }
0x9a: {  	s5 =	simm.s32 $_scs_section_size  }
0x9b: {  	s6 =	simm.s32 $_size__tile_overlayer_lowered;
	s7 =	simm.s32 $_tile_overlayer_lowered  }
0x9c: {  	s22 =	simm.s32 $0x1BFF;
	s21 =	sshll.u32 s7, $0x1;
	s4 =	sadd.s32 s5, s19  }
0x9d: {  	s8 =	simm.s32 $0x0;
	s20 =	sshll.u32 s6, $0x1;
	s6 =	sadd.s32 s21, s4  }
0x9e: {  	[timem:s8], [sflag:s22] =	dma.local [hbm:s6], s20  }
0x9f: {  	_ =	swait.ge [sflag:s22], s20  }
0xa0: {  	s5 =	ssub.s32 $0x0, s20;
	[sflag:s22] =	ssyncset.done $0x0  }
0xa1: {  	[sflag:s22] =	ssyncadd.s32 s5;
	_ =	sdelay $0x1  }
0xa2: {  	s23 =	simm.s32 $0x1B8B  }
0xa3: {  	_ =	swait.ge [sflag:s23], $0x1  }
0xa4: {  	[sflag:s23] =	ssyncset.done $0x0  }
0xa5: {  	s25 =	simm.s32 $0x1B8E;
	s24 =	sld [smem:$0x3FFE];
	[sflag:s23] =	ssyncadd.s32 $0xFFFFFFFF  }
0xa6: {  	s26 =	simm.s32 $execute0_lowered;
	[smem:$0x3FD2] =	sst s25  }
0xa7: {  	s6 =	sshll.u32 s26, $0x1;
	_ =	strace $0x80000046;
	[dreg:$0x1] =	wrdreg $0xFFFFFFFF  }
0xa8: {  	s28 =	simm.s32 $_size_execute0_lowered;
	s4 =	sadd.s32 s4, s6;
	[dreg:$0x0] =	wrdreg $0x0  }
0xa9: {  	s6 =	sshll.u32 s28, $0x1;
	[dreg:$0x2] =	wrdreg s4  }
0xaa: {  	[dreg:$0x3] =	wrdreg s6  }
0xab: {  	[dreg:$0x4] =	wrdreg $0xC0  }
0xac: {  	_ =	task [dreg:s8], $0x5FFFF  }
0xad: {  	[dreg:$0x1] =	wrdreg $0xFFFFFFFF  }
0xae: {  	[dreg:$0x0] =	wrdreg $0x60  }
0xaf: {  	[dreg:$0x2] =	wrdreg s2  }
0xb0: {  	[dreg:$0x3] =	wrdreg s24  }
0xb1: {  	[dreg:$0x4] =	wrdreg s18  }
0xb2: {  	[dreg:$0x5] =	wrdreg $0x9  }
0xb3: {  	_ =	task.clear_ibuf [dreg:s8], $0x6FFFF;
	_ =	strace $0x90000046  }
0xb4: {  	s29 =	simm.s32 $0x9;
	_ =	strace $0x80000048  }
0xb5: {  	_ =	swait.ge [sflag:s29], $0x1  }
0xb6: {  	[sflag:s29] =	ssyncadd.s32 $0xFFFFFFFF  }
0xb7: {  	_ =	strace $0x90000048  }
0xb8: {  	_ =	sfence  }
0xb9: {  	s30 =	sld [smem:$0x0];
	_ =	sdelay $0x2  }
0xba: {  	s31 =	sshll.u32 s1, $0xD;
	s1 =	sshrl.u32 s1, $0x2  }
0xbb: {  	s3 =	sand.u32 $0x4000, s31;
	s1 =	sadd.s32 s1, s30  }
0xbc: {  	s0 =	sor.u32 s3, s0;
	s1 =	sshll.u32 s1, $0x11  }
0xbd: {  	s0 =	sor.u32 s1, s0  }
0xbe: {  	s0 =	sadd.s32 $0x8F2B, s0  }
0xbf: {  	[sflag:s0] =	ssyncadd.remote.s32 $0x1  }
0xc0: {  	_ =	sfence.sel $0xFFFF  }
0xc1: {  	[dreg:$0x0] =	wrdreg $0xFFFFFFFF;
	(pc) =	sbr.abs _section_cstart, $3  }
0xc2: {  	[dreg:$0x1] =	wrdreg $0xFFFFFFFF  }
0xc3: {  	_ =	task.clear_ibuf [dreg:s8], $0x2FFFF;
	_ =	strace $0x9FFFFFFF  }
0xc4: {  	(tm) =	ssettm $0x7FFFFFFF  }
0xc5: {  	_ =	shalt  }
tec
execute0_lowered:
.L_overlay_start_1:
0x0: {  	(tag) =	ssettag $0x1  }
0x1: {  	s0 =	rddreg [dreg:$0x0]  }
0x2: {  	s1 =	rddreg [dreg:$0x1]  }
0x3: {  	s2 =	rddreg [dreg:$0x2];
	s7 =	simm.s32 $0x0;
	s3 =	srdreg.scid  }
0x4: {  	s5 =	stileid.u32;
	s11 =	simm.s32 $0x80;
	s28 =	simm.s32 $0x6800  }
0x5: {  	s29 =	simm.s32 $0x6880;
	s30 =	simm.s32 $0x6810;
	s31 =	simm.s32 $0x6890  }
0x6: {  	s8 =	simm.s32 $0x6830;
	s9 =	simm.s32 $0x68B0;
	s12 =	simm.s32 $0x6840  }
0x7: {  	s13 =	simm.s32 $0x68C0;
	s14 =	simm.s32 $0x6850;
	s15 =	simm.s32 $0x68D0  }
0x8: {  	s16 =	simm.s32 $0x6860;
	s17 =	simm.s32 $0x68E0;
	s18 =	simm.s32 $0x6870  }
0x9: {  	s19 =	simm.s32 $0x68F0;
	s20 =	simm.s32 $0x2;
	s21 =	simm.s32 $0x3  }
0xa: {  	s22 =	simm.s32 $0x4;
	[smem:$0x7FF] =	sst s7;
	s4 =	sand.u32 $0x1, s3  }
0xb: {  	s5 =	sshll.u32 s5, $0x1;
	s3 =	sadd.s32 $0x800, s1;
	_ =	strace $0x80000047  }
0xc: {  	s23 =	ssub.s32 $0x2, s4;
	s4 =	sor.u32 s4, s5;
	s5 =	simm.s32 $0x0  }
0xd: {  	s24 =	sshrl.u32 s23, $0x1;
	s6 =	sshll.u32 s4, $0x7;
	s4 =	sshll.u32 s4, $0x5  }
0xe: {  	s1 =	ssub.s32 s23, s24;
	s0 =	sadd.s32 s0, s6;
	s25 =	sadd.s32 s2, s4  }
.Ltmp0:
0xf: {  	s23 =	simm.s32 $0x5;
	s24 =	simm.s32 $0x6;
	(pc) =	sbr.rel .LBB2_1-.Ltmp0, $4  }
0x10: {  	s4 =	simm.s32 $0x7;
	s6 =	simm.s32 $0x8;
	[dreg:$0x4] =	wrdreg s0  }
0x11: {  	[dreg:$0x5] =	wrdreg s25;
	s0 =	sadd.s32 $0x10, s25;
	s26 =	smax.u32 s1, $0x1  }
0x12: {  	s25 =	simm.s32 $0x9;
	s1 =	simm.s32 $0x68A0;
	[dreg:$0x6] =	wrdreg s0  }
0x13: {  	v0 =	vimm.f32 $0.0e+00;
	[dreg:$0x7] =	wrdreg s26;
	s26 =	simm.s32 $0x1;
	s0 =	simm.s32 $0x6820  }
.LBB2_4:
0x14: {  	s7 =	simm.s32 $0x0;
	s2 =	rddreg [dreg:$0x5];
	s25 =	simm.s32 $0x9  }
0x15: {  	[hbm4b:s2+s7] =	stream.linear.scatter [tilespmem:s28], [sflag:$0x9], $0x80, $0x38;
	[tilespmem:$0x6900] =	vst v63  }
0x16: {  	_ =	swait.ge [sflag:s25], $0x80  }
0x17: {  	[sflag:s25] =	ssyncset.done $0x0  }
0x18: {  	s5 =	rddreg [dreg:$0x6];
	[sflag:s25] =	ssyncadd.s32 $0xFFFFFF80  }
0x19: {  	[hbm4b:s5+s7] =	stream.linear.scatter [tilespmem:s29], [sflag:$0x9], $0x80, $0x38;
	[tilespmem:$0x6900] =	vst v63  }
0x1a: {  	_ =	swait.ge [sflag:s25], $0x80  }
0x1b: {  	s5 =	rddreg [dreg:$0x8]  }
0x1c: {  	s10 =	rddreg [dreg:$0x7];
	s5 =	sadd.s32 $0x1, s5  }
0x1d: {  	p0 =	sne.s32 s5, s10  }
.Ltmp1:
0x1e: {  	_ = 	snop;
	(pc) =	sbr.rel @!p0 .LBB2_5-.Ltmp1, $3  }
0x1f: {  	_ =	sdelay $0x1  }
0x20: {  	[sflag:s25] =	ssyncset.done $0x0  }
0x21: {  	[sflag:s25] =	ssyncadd.s32 $0xFFFFFF80  }
.LBB2_1:
0x22: {  	[dreg:$0x8] =	wrdreg s5  }
0x23: {  	s2 =	rddreg [dreg:$0x4];
	s5 =	simm.s32 $0x400;
	s10 =	simm.s32 $0x8000  }
0x24: {  	[tilespmem:s7], [sflag:$0x9] =	stream.strided.gather [hbm4b:s2+s5], $0x6400, s10, s5, $0x38;
	[tilespmem:$0x6900] =	vst v63  }
0x25: {  	_ =	swait.ge [sflag:s25], $0x6400  }
0x26: {  	[sflag:s25] =	ssyncset.done $0x0  }
0x27: {  	[sflag:s25] =	ssyncadd.s32 $0xFFFF9C00  }
0x28: {  	[tilespmem:$0x6800] =	vst v0  }
0x29: {  	[tilespmem:$0x6880] =	vst v0  }
0x2a: {  	[tilespmem:$0x6810] =	vst v0  }
0x2b: {  	[tilespmem:$0x6890] =	vst v0  }
0x2c: {  	[tilespmem:$0x6820] =	vst v0  }
0x2d: {  	[tilespmem:$0x68A0] =	vst v0  }
0x2e: {  	[tilespmem:$0x6830] =	vst v0  }
0x2f: {  	[tilespmem:$0x68B0] =	vst v0  }
0x30: {  	[tilespmem:$0x6840] =	vst v0  }
0x31: {  	[tilespmem:$0x68C0] =	vst v0  }
0x32: {  	[tilespmem:$0x6850] =	vst v0  }
0x33: {  	[tilespmem:$0x68D0] =	vst v0  }
0x34: {  	[tilespmem:$0x6860] =	vst v0  }
0x35: {  	[tilespmem:$0x68E0] =	vst v0  }
0x36: {  	[tilespmem:$0x6870] =	vst v0  }
0x37: {  	s10 =	simm.s32 $0x6400;
	[tilespmem:$0x68F0] =	vst v0  }
0x38: {  	[tilespmem:s10], [sflag:$0x1] =	stream.indirect.gather [hbm4b:s3+s11], $0x1, s7, s11, $0xb8;
	[tilespmem:$0x6900] =	vst v63  }
0x39: {  	s25 =	simm.s32 $0x6480  }
0x3a: {  	[tilespmem:s25], [sflag:$0x2] =	stream.indirect.gather [hbm4b:s3+s11], $0x1, s11, s11, $0xb8;
	[tilespmem:$0x6900] =	vst v63  }
0x3b: {  	s5 =	simm.s32 $0x100;
	s7 =	simm.s32 $0x6500  }
0x3c: {  	[tilespmem:s7], [sflag:$0x3] =	stream.indirect.gather [hbm4b:s3+s11], $0x1, s5, s11, $0xb8;
	[tilespmem:$0x6900] =	vst v63  }
0x3d: {  	s10 =	simm.s32 $0x180;
	s25 =	simm.s32 $0x6580  }
0x3e: {  	[tilespmem:s25], [sflag:$0x4] =	stream.indirect.gather [hbm4b:s3+s11], $0x1, s10, s11, $0xb8;
	[tilespmem:$0x6900] =	vst v63  }
0x3f: {  	s5 =	simm.s32 $0x200;
	s7 =	simm.s32 $0x6600  }
0x40: {  	[tilespmem:s7], [sflag:$0x5] =	stream.indirect.gather [hbm4b:s3+s11], $0x1, s5, s11, $0xb8;
	[tilespmem:$0x6900] =	vst v63  }
0x41: {  	s10 =	simm.s32 $0x280;
	s25 =	simm.s32 $0x6680  }
0x42: {  	[tilespmem:s25], [sflag:$0x6] =	stream.indirect.gather [hbm4b:s3+s11], $0x1, s10, s11, $0xb8;
	[tilespmem:$0x6900] =	vst v63  }
0x43: {  	s5 =	simm.s32 $0x300;
	s7 =	simm.s32 $0x6700  }
0x44: {  	[tilespmem:s7], [sflag:$0x7] =	stream.indirect.gather [hbm4b:s3+s11], $0x1, s5, s11, $0xb8;
	[tilespmem:$0x6900] =	vst v63  }
0x45: {  	s10 =	simm.s32 $0x380;
	s25 =	simm.s32 $0x6780;
	s5 =	simm.s32 $0x0  }
0x46: {  	[tilespmem:s25], [sflag:$0x8] =	stream.indirect.gather [hbm4b:s3+s11], $0x1, s10, s11, $0xb8;
	[tilespmem:$0x6900] =	vst v63  }
.LBB2_2:
0x47: {  	_ =	swait.ge [sflag:s26], $0x80  }
0x48: {  	[sflag:s26] =	ssyncset.done $0x0  }
0x49: {  	[sflag:s26] =	ssyncadd.s32 $0xFFFFFF80  }
0x4a: {  	v1 =	vld [tilespmem:$0x6400];
	_ =	sdelay $0x4  }
0x4b: {  	v2 =	vshll.u32 v1, $0x10  }
0x4c: {  	v1 =	vand.u32 $0xFFFF0000, v1;
	[tilespmem:s28+$0x0] =	vst.add.f32.msk $0xffff, v2  }
0x4d: {  	[tilespmem:s29+$0x0] =	vst.add.f32.msk $0xffff, v1  }
0x4e: {  	v1 =	vld [tilespmem:$0x6410];
	_ =	sdelay $0x4  }
0x4f: {  	v2 =	vshll.u32 v1, $0x10  }
0x50: {  	v1 =	vand.u32 $0xFFFF0000, v1;
	[tilespmem:s30+$0x0] =	vst.add.f32.msk $0xffff, v2  }
0x51: {  	[tilespmem:s31+$0x0] =	vst.add.f32.msk $0xffff, v1  }
0x52: {  	v1 =	vld [tilespmem:$0x6420];
	_ =	sdelay $0x4  }
0x53: {  	v2 =	vshll.u32 v1, $0x10  }
0x54: {  	v1 =	vand.u32 $0xFFFF0000, v1;
	[tilespmem:s0+$0x0] =	vst.add.f32.msk $0xffff, v2  }
0x55: {  	[tilespmem:s1+$0x0] =	vst.add.f32.msk $0xffff, v1  }
0x56: {  	v1 =	vld [tilespmem:$0x6430];
	_ =	sdelay $0x4  }
0x57: {  	v2 =	vshll.u32 v1, $0x10  }
0x58: {  	v1 =	vand.u32 $0xFFFF0000, v1;
	[tilespmem:s8+$0x0] =	vst.add.f32.msk $0xffff, v2  }
0x59: {  	[tilespmem:s9+$0x0] =	vst.add.f32.msk $0xffff, v1  }
0x5a: {  	v1 =	vld [tilespmem:$0x6440];
	_ =	sdelay $0x4  }
0x5b: {  	v2 =	vshll.u32 v1, $0x10  }
0x5c: {  	v1 =	vand.u32 $0xFFFF0000, v1;
	[tilespmem:s12+$0x0] =	vst.add.f32.msk $0xffff, v2  }
0x5d: {  	[tilespmem:s13+$0x0] =	vst.add.f32.msk $0xffff, v1  }
0x5e: {  	v1 =	vld [tilespmem:$0x6450];
	_ =	sdelay $0x4  }
0x5f: {  	v2 =	vshll.u32 v1, $0x10  }
0x60: {  	v1 =	vand.u32 $0xFFFF0000, v1;
	[tilespmem:s14+$0x0] =	vst.add.f32.msk $0xffff, v2  }
0x61: {  	[tilespmem:s15+$0x0] =	vst.add.f32.msk $0xffff, v1  }
0x62: {  	v1 =	vld [tilespmem:$0x6460];
	_ =	sdelay $0x4  }
0x63: {  	v2 =	vshll.u32 v1, $0x10  }
0x64: {  	v1 =	vand.u32 $0xFFFF0000, v1;
	[tilespmem:s16+$0x0] =	vst.add.f32.msk $0xffff, v2  }
0x65: {  	[tilespmem:s17+$0x0] =	vst.add.f32.msk $0xffff, v1  }
0x66: {  	v1 =	vld [tilespmem:$0x6470];
	_ =	sdelay $0x4  }
0x67: {  	p0 =	seq.s32 s5, $0x18000;
	v2 =	vshll.u32 v1, $0x10  }
0x68: {  	s2 =	sshra.s32 @!p0 s5, $0x2;
	v1 =	vand.u32 $0xFFFF0000, v1;
	[tilespmem:s18+$0x0] =	vst.add.f32.msk $0xffff, v2  }
0x69: {  	s10 =	simm.s32 @!p0 $0x80;
	s25 =	simm.s32 @!p0 $0x6400;
	s7 =	sadd.s32 @!p0 $0x400, s2;
	[tilespmem:s19+$0x0] =	vst.add.f32.msk $0xffff, v1  }
0x6a: {  	[tilespmem:s25], [sflag:$0x1] =	stream.indirect.gather @!p0 [hbm4b:s3+s10], $0x1, s7, s10, $0xb8;
	[tilespmem:$0x6900] =	vst v63  }
0x6b: {  	_ =	swait.ge [sflag:s20], $0x80  }
0x6c: {  	[sflag:s20] =	ssyncset.done $0x0  }
0x6d: {  	[sflag:s20] =	ssyncadd.s32 $0xFFFFFF80  }
0x6e: {  	v1 =	vld [tilespmem:$0x6480];
	_ =	sdelay $0x4  }
0x6f: {  	v2 =	vshll.u32 v1, $0x10  }
0x70: {  	v1 =	vand.u32 $0xFFFF0000, v1;
	[tilespmem:s28+$0x0] =	vst.add.f32.msk $0xffff, v2  }
0x71: {  	[tilespmem:s29+$0x0] =	vst.add.f32.msk $0xffff, v1  }
0x72: {  	v1 =	vld [tilespmem:$0x6490];
	_ =	sdelay $0x4  }
0x73: {  	v2 =	vshll.u32 v1, $0x10  }
0x74: {  	v1 =	vand.u32 $0xFFFF0000, v1;
	[tilespmem:s30+$0x0] =	vst.add.f32.msk $0xffff, v2  }
0x75: {  	[tilespmem:s31+$0x0] =	vst.add.f32.msk $0xffff, v1  }
0x76: {  	v1 =	vld [tilespmem:$0x64A0];
	_ =	sdelay $0x4  }
0x77: {  	v2 =	vshll.u32 v1, $0x10  }
0x78: {  	v1 =	vand.u32 $0xFFFF0000, v1;
	[tilespmem:s0+$0x0] =	vst.add.f32.msk $0xffff, v2  }
0x79: {  	[tilespmem:s1+$0x0] =	vst.add.f32.msk $0xffff, v1  }
0x7a: {  	v1 =	vld [tilespmem:$0x64B0];
	_ =	sdelay $0x4  }
0x7b: {  	v2 =	vshll.u32 v1, $0x10  }
0x7c: {  	v1 =	vand.u32 $0xFFFF0000, v1;
	[tilespmem:s8+$0x0] =	vst.add.f32.msk $0xffff, v2  }
0x7d: {  	[tilespmem:s9+$0x0] =	vst.add.f32.msk $0xffff, v1  }
0x7e: {  	v1 =	vld [tilespmem:$0x64C0];
	_ =	sdelay $0x4  }
0x7f: {  	v2 =	vshll.u32 v1, $0x10  }
0x80: {  	v1 =	vand.u32 $0xFFFF0000, v1;
	[tilespmem:s12+$0x0] =	vst.add.f32.msk $0xffff, v2  }
0x81: {  	[tilespmem:s13+$0x0] =	vst.add.f32.msk $0xffff, v1  }
0x82: {  	v1 =	vld [tilespmem:$0x64D0];
	_ =	sdelay $0x4  }
0x83: {  	v2 =	vshll.u32 v1, $0x10  }
0x84: {  	v1 =	vand.u32 $0xFFFF0000, v1;
	[tilespmem:s14+$0x0] =	vst.add.f32.msk $0xffff, v2  }
0x85: {  	[tilespmem:s15+$0x0] =	vst.add.f32.msk $0xffff, v1  }
0x86: {  	v1 =	vld [tilespmem:$0x64E0];
	_ =	sdelay $0x4  }
0x87: {  	v2 =	vshll.u32 v1, $0x10  }
0x88: {  	v1 =	vand.u32 $0xFFFF0000, v1;
	[tilespmem:s16+$0x0] =	vst.add.f32.msk $0xffff, v2  }
0x89: {  	[tilespmem:s17+$0x0] =	vst.add.f32.msk $0xffff, v1  }
0x8a: {  	v1 =	vld [tilespmem:$0x64F0];
	_ =	sdelay $0x4  }
0x8b: {  	v2 =	vshll.u32 v1, $0x10  }
0x8c: {  	v1 =	vand.u32 $0xFFFF0000, v1;
	[tilespmem:s18+$0x0] =	vst.add.f32.msk $0xffff, v2  }
0x8d: {  	s7 =	sadd.s32 @!p0 $0x480, s2;
	s25 =	simm.s32 @!p0 $0x6480;
	[tilespmem:s19+$0x0] =	vst.add.f32.msk $0xffff, v1  }
0x8e: {  	[tilespmem:s25], [sflag:$0x2] =	stream.indirect.gather @!p0 [hbm4b:s3+s10], $0x1, s7, s10, $0xb8;
	[tilespmem:$0x6900] =	vst v63  }
0x8f: {  	_ =	swait.ge [sflag:s21], $0x80  }
0x90: {  	[sflag:s21] =	ssyncset.done $0x0  }
0x91: {  	[sflag:s21] =	ssyncadd.s32 $0xFFFFFF80  }
0x92: {  	v1 =	vld [tilespmem:$0x6500];
	_ =	sdelay $0x4  }
0x93: {  	v2 =	vshll.u32 v1, $0x10  }
0x94: {  	v1 =	vand.u32 $0xFFFF0000, v1;
	[tilespmem:s28+$0x0] =	vst.add.f32.msk $0xffff, v2  }
0x95: {  	[tilespmem:s29+$0x0] =	vst.add.f32.msk $0xffff, v1  }
0x96: {  	v1 =	vld [tilespmem:$0x6510];
	_ =	sdelay $0x4  }
0x97: {  	v2 =	vshll.u32 v1, $0x10  }
0x98: {  	v1 =	vand.u32 $0xFFFF0000, v1;
	[tilespmem:s30+$0x0] =	vst.add.f32.msk $0xffff, v2  }
0x99: {  	[tilespmem:s31+$0x0] =	vst.add.f32.msk $0xffff, v1  }
0x9a: {  	v1 =	vld [tilespmem:$0x6520];
	_ =	sdelay $0x4  }
0x9b: {  	v2 =	vshll.u32 v1, $0x10  }
0x9c: {  	v1 =	vand.u32 $0xFFFF0000, v1;
	[tilespmem:s0+$0x0] =	vst.add.f32.msk $0xffff, v2  }
0x9d: {  	[tilespmem:s1+$0x0] =	vst.add.f32.msk $0xffff, v1  }
0x9e: {  	v1 =	vld [tilespmem:$0x6530];
	_ =	sdelay $0x4  }
0x9f: {  	v2 =	vshll.u32 v1, $0x10  }
0xa0: {  	v1 =	vand.u32 $0xFFFF0000, v1;
	[tilespmem:s8+$0x0] =	vst.add.f32.msk $0xffff, v2  }
0xa1: {  	[tilespmem:s9+$0x0] =	vst.add.f32.msk $0xffff, v1  }
0xa2: {  	v1 =	vld [tilespmem:$0x6540];
	_ =	sdelay $0x4  }
0xa3: {  	v2 =	vshll.u32 v1, $0x10  }
0xa4: {  	v1 =	vand.u32 $0xFFFF0000, v1;
	[tilespmem:s12+$0x0] =	vst.add.f32.msk $0xffff, v2  }
0xa5: {  	[tilespmem:s13+$0x0] =	vst.add.f32.msk $0xffff, v1  }
0xa6: {  	v1 =	vld [tilespmem:$0x6550];
	_ =	sdelay $0x4  }
0xa7: {  	v2 =	vshll.u32 v1, $0x10  }
0xa8: {  	v1 =	vand.u32 $0xFFFF0000, v1;
	[tilespmem:s14+$0x0] =	vst.add.f32.msk $0xffff, v2  }
0xa9: {  	[tilespmem:s15+$0x0] =	vst.add.f32.msk $0xffff, v1  }
0xaa: {  	v1 =	vld [tilespmem:$0x6560];
	_ =	sdelay $0x4  }
0xab: {  	v2 =	vshll.u32 v1, $0x10  }
0xac: {  	v1 =	vand.u32 $0xFFFF0000, v1;
	[tilespmem:s16+$0x0] =	vst.add.f32.msk $0xffff, v2  }
0xad: {  	[tilespmem:s17+$0x0] =	vst.add.f32.msk $0xffff, v1  }
0xae: {  	v1 =	vld [tilespmem:$0x6570];
	_ =	sdelay $0x4  }
0xaf: {  	v2 =	vshll.u32 v1, $0x10  }
0xb0: {  	v1 =	vand.u32 $0xFFFF0000, v1;
	[tilespmem:s18+$0x0] =	vst.add.f32.msk $0xffff, v2  }
0xb1: {  	s7 =	sadd.s32 @!p0 $0x500, s2;
	s25 =	simm.s32 @!p0 $0x6500;
	[tilespmem:s19+$0x0] =	vst.add.f32.msk $0xffff, v1  }
0xb2: {  	[tilespmem:s25], [sflag:$0x3] =	stream.indirect.gather @!p0 [hbm4b:s3+s10], $0x1, s7, s10, $0xb8;
	[tilespmem:$0x6900] =	vst v63  }
0xb3: {  	_ =	swait.ge [sflag:s22], $0x80  }
0xb4: {  	[sflag:s22] =	ssyncset.done $0x0  }
0xb5: {  	[sflag:s22] =	ssyncadd.s32 $0xFFFFFF80  }
0xb6: {  	v1 =	vld [tilespmem:$0x6580];
	_ =	sdelay $0x4  }
0xb7: {  	v2 =	vshll.u32 v1, $0x10  }
0xb8: {  	v1 =	vand.u32 $0xFFFF0000, v1;
	[tilespmem:s28+$0x0] =	vst.add.f32.msk $0xffff, v2  }
0xb9: {  	[tilespmem:s29+$0x0] =	vst.add.f32.msk $0xffff, v1  }
0xba: {  	v1 =	vld [tilespmem:$0x6590];
	_ =	sdelay $0x4  }
0xbb: {  	v2 =	vshll.u32 v1, $0x10  }
0xbc: {  	v1 =	vand.u32 $0xFFFF0000, v1;
	[tilespmem:s30+$0x0] =	vst.add.f32.msk $0xffff, v2  }
0xbd: {  	[tilespmem:s31+$0x0] =	vst.add.f32.msk $0xffff, v1  }
0xbe: {  	v1 =	vld [tilespmem:$0x65A0];
	_ =	sdelay $0x4  }
0xbf: {  	v2 =	vshll.u32 v1, $0x10  }
0xc0: {  	v1 =	vand.u32 $0xFFFF0000, v1;
	[tilespmem:s0+$0x0] =	vst.add.f32.msk $0xffff, v2  }
0xc1: {  	[tilespmem:s1+$0x0] =	vst.add.f32.msk $0xffff, v1  }
0xc2: {  	v1 =	vld [tilespmem:$0x65B0];
	_ =	sdelay $0x4  }
0xc3: {  	v2 =	vshll.u32 v1, $0x10  }
0xc4: {  	v1 =	vand.u32 $0xFFFF0000, v1;
	[tilespmem:s8+$0x0] =	vst.add.f32.msk $0xffff, v2  }
0xc5: {  	[tilespmem:s9+$0x0] =	vst.add.f32.msk $0xffff, v1  }
0xc6: {  	v1 =	vld [tilespmem:$0x65C0];
	_ =	sdelay $0x4  }
0xc7: {  	v2 =	vshll.u32 v1, $0x10  }
0xc8: {  	v1 =	vand.u32 $0xFFFF0000, v1;
	[tilespmem:s12+$0x0] =	vst.add.f32.msk $0xffff, v2  }
0xc9: {  	[tilespmem:s13+$0x0] =	vst.add.f32.msk $0xffff, v1  }
0xca: {  	v1 =	vld [tilespmem:$0x65D0];
	_ =	sdelay $0x4  }
0xcb: {  	v2 =	vshll.u32 v1, $0x10  }
0xcc: {  	v1 =	vand.u32 $0xFFFF0000, v1;
	[tilespmem:s14+$0x0] =	vst.add.f32.msk $0xffff, v2  }
0xcd: {  	[tilespmem:s15+$0x0] =	vst.add.f32.msk $0xffff, v1  }
0xce: {  	v1 =	vld [tilespmem:$0x65E0];
	_ =	sdelay $0x4  }
0xcf: {  	v2 =	vshll.u32 v1, $0x10  }
0xd0: {  	v1 =	vand.u32 $0xFFFF0000, v1;
	[tilespmem:s16+$0x0] =	vst.add.f32.msk $0xffff, v2  }
0xd1: {  	[tilespmem:s17+$0x0] =	vst.add.f32.msk $0xffff, v1  }
0xd2: {  	v1 =	vld [tilespmem:$0x65F0];
	_ =	sdelay $0x4  }
0xd3: {  	v2 =	vshll.u32 v1, $0x10  }
0xd4: {  	v1 =	vand.u32 $0xFFFF0000, v1;
	[tilespmem:s18+$0x0] =	vst.add.f32.msk $0xffff, v2  }
0xd5: {  	s7 =	sadd.s32 @!p0 $0x580, s2;
	s25 =	simm.s32 @!p0 $0x6580;
	[tilespmem:s19+$0x0] =	vst.add.f32.msk $0xffff, v1  }
0xd6: {  	[tilespmem:s25], [sflag:$0x4] =	stream.indirect.gather @!p0 [hbm4b:s3+s10], $0x1, s7, s10, $0xb8;
	[tilespmem:$0x6900] =	vst v63  }
0xd7: {  	_ =	swait.ge [sflag:s23], $0x80  }
0xd8: {  	[sflag:s23] =	ssyncset.done $0x0  }
0xd9: {  	[sflag:s23] =	ssyncadd.s32 $0xFFFFFF80  }
0xda: {  	v1 =	vld [tilespmem:$0x6600];
	_ =	sdelay $0x4  }
0xdb: {  	v2 =	vshll.u32 v1, $0x10  }
0xdc: {  	v1 =	vand.u32 $0xFFFF0000, v1;
	[tilespmem:s28+$0x0] =	vst.add.f32.msk $0xffff, v2  }
0xdd: {  	[tilespmem:s29+$0x0] =	vst.add.f32.msk $0xffff, v1  }
0xde: {  	v1 =	vld [tilespmem:$0x6610];
	_ =	sdelay $0x4  }
0xdf: {  	v2 =	vshll.u32 v1, $0x10  }
0xe0: {  	v1 =	vand.u32 $0xFFFF0000, v1;
	[tilespmem:s30+$0x0] =	vst.add.f32.msk $0xffff, v2  }
0xe1: {  	[tilespmem:s31+$0x0] =	vst.add.f32.msk $0xffff, v1  }
0xe2: {  	v1 =	vld [tilespmem:$0x6620];
	_ =	sdelay $0x4  }
0xe3: {  	v2 =	vshll.u32 v1, $0x10  }
0xe4: {  	v1 =	vand.u32 $0xFFFF0000, v1;
	[tilespmem:s0+$0x0] =	vst.add.f32.msk $0xffff, v2  }
0xe5: {  	[tilespmem:s1+$0x0] =	vst.add.f32.msk $0xffff, v1  }
0xe6: {  	v1 =	vld [tilespmem:$0x6630];
	_ =	sdelay $0x4  }
0xe7: {  	v2 =	vshll.u32 v1, $0x10  }
0xe8: {  	v1 =	vand.u32 $0xFFFF0000, v1;
	[tilespmem:s8+$0x0] =	vst.add.f32.msk $0xffff, v2  }
0xe9: {  	[tilespmem:s9+$0x0] =	vst.add.f32.msk $0xffff, v1  }
0xea: {  	v1 =	vld [tilespmem:$0x6640];
	_ =	sdelay $0x4  }
0xeb: {  	v2 =	vshll.u32 v1, $0x10  }
0xec: {  	v1 =	vand.u32 $0xFFFF0000, v1;
	[tilespmem:s12+$0x0] =	vst.add.f32.msk $0xffff, v2  }
0xed: {  	[tilespmem:s13+$0x0] =	vst.add.f32.msk $0xffff, v1  }
0xee: {  	v1 =	vld [tilespmem:$0x6650];
	_ =	sdelay $0x4  }
0xef: {  	v2 =	vshll.u32 v1, $0x10  }
0xf0: {  	v1 =	vand.u32 $0xFFFF0000, v1;
	[tilespmem:s14+$0x0] =	vst.add.f32.msk $0xffff, v2  }
0xf1: {  	[tilespmem:s15+$0x0] =	vst.add.f32.msk $0xffff, v1  }
0xf2: {  	v1 =	vld [tilespmem:$0x6660];
	_ =	sdelay $0x4  }
0xf3: {  	v2 =	vshll.u32 v1, $0x10  }
0xf4: {  	v1 =	vand.u32 $0xFFFF0000, v1;
	[tilespmem:s16+$0x0] =	vst.add.f32.msk $0xffff, v2  }
0xf5: {  	[tilespmem:s17+$0x0] =	vst.add.f32.msk $0xffff, v1  }
0xf6: {  	v1 =	vld [tilespmem:$0x6670];
	_ =	sdelay $0x4  }
0xf7: {  	v2 =	vshll.u32 v1, $0x10  }
0xf8: {  	v1 =	vand.u32 $0xFFFF0000, v1;
	[tilespmem:s18+$0x0] =	vst.add.f32.msk $0xffff, v2  }
0xf9: {  	s7 =	sadd.s32 @!p0 $0x600, s2;
	s25 =	simm.s32 @!p0 $0x6600;
	[tilespmem:s19+$0x0] =	vst.add.f32.msk $0xffff, v1  }
0xfa: {  	[tilespmem:s25], [sflag:$0x5] =	stream.indirect.gather @!p0 [hbm4b:s3+s10], $0x1, s7, s10, $0xb8;
	[tilespmem:$0x6900] =	vst v63  }
0xfb: {  	_ =	swait.ge [sflag:s24], $0x80  }
0xfc: {  	[sflag:s24] =	ssyncset.done $0x0  }
0xfd: {  	[sflag:s24] =	ssyncadd.s32 $0xFFFFFF80  }
0xfe: {  	v1 =	vld [tilespmem:$0x6680];
	_ =	sdelay $0x4  }
0xff: {  	v2 =	vshll.u32 v1, $0x10  }
0x100: {  	v1 =	vand.u32 $0xFFFF0000, v1;
	[tilespmem:s28+$0x0] =	vst.add.f32.msk $0xffff, v2  }
0x101: {  	[tilespmem:s29+$0x0] =	vst.add.f32.msk $0xffff, v1  }
0x102: {  	v1 =	vld [tilespmem:$0x6690];
	_ =	sdelay $0x4  }
0x103: {  	v2 =	vshll.u32 v1, $0x10  }
0x104: {  	v1 =	vand.u32 $0xFFFF0000, v1;
	[tilespmem:s30+$0x0] =	vst.add.f32.msk $0xffff, v2  }
0x105: {  	[tilespmem:s31+$0x0] =	vst.add.f32.msk $0xffff, v1  }
0x106: {  	v1 =	vld [tilespmem:$0x66A0];
	_ =	sdelay $0x4  }
0x107: {  	v2 =	vshll.u32 v1, $0x10  }
0x108: {  	v1 =	vand.u32 $0xFFFF0000, v1;
	[tilespmem:s0+$0x0] =	vst.add.f32.msk $0xffff, v2  }
0x109: {  	[tilespmem:s1+$0x0] =	vst.add.f32.msk $0xffff, v1  }
0x10a: {  	v1 =	vld [tilespmem:$0x66B0];
	_ =	sdelay $0x4  }
0x10b: {  	v2 =	vshll.u32 v1, $0x10  }
0x10c: {  	v1 =	vand.u32 $0xFFFF0000, v1;
	[tilespmem:s8+$0x0] =	vst.add.f32.msk $0xffff, v2  }
0x10d: {  	[tilespmem:s9+$0x0] =	vst.add.f32.msk $0xffff, v1  }
0x10e: {  	v1 =	vld [tilespmem:$0x66C0];
	_ =	sdelay $0x4  }
0x10f: {  	v2 =	vshll.u32 v1, $0x10  }
0x110: {  	v1 =	vand.u32 $0xFFFF0000, v1;
	[tilespmem:s12+$0x0] =	vst.add.f32.msk $0xffff, v2  }
0x111: {  	[tilespmem:s13+$0x0] =	vst.add.f32.msk $0xffff, v1  }
0x112: {  	v1 =	vld [tilespmem:$0x66D0];
	_ =	sdelay $0x4  }
0x113: {  	v2 =	vshll.u32 v1, $0x10  }
0x114: {  	v1 =	vand.u32 $0xFFFF0000, v1;
	[tilespmem:s14+$0x0] =	vst.add.f32.msk $0xffff, v2  }
0x115: {  	[tilespmem:s15+$0x0] =	vst.add.f32.msk $0xffff, v1  }
0x116: {  	v1 =	vld [tilespmem:$0x66E0];
	_ =	sdelay $0x4  }
0x117: {  	v2 =	vshll.u32 v1, $0x10  }
0x118: {  	v1 =	vand.u32 $0xFFFF0000, v1;
	[tilespmem:s16+$0x0] =	vst.add.f32.msk $0xffff, v2  }
0x119: {  	[tilespmem:s17+$0x0] =	vst.add.f32.msk $0xffff, v1  }
0x11a: {  	v1 =	vld [tilespmem:$0x66F0];
	_ =	sdelay $0x4  }
0x11b: {  	v2 =	vshll.u32 v1, $0x10  }
0x11c: {  	v1 =	vand.u32 $0xFFFF0000, v1;
	[tilespmem:s18+$0x0] =	vst.add.f32.msk $0xffff, v2  }
0x11d: {  	s7 =	sadd.s32 @!p0 $0x680, s2;
	s25 =	simm.s32 @!p0 $0x6680;
	[tilespmem:s19+$0x0] =	vst.add.f32.msk $0xffff, v1  }
0x11e: {  	[tilespmem:s25], [sflag:$0x6] =	stream.indirect.gather @!p0 [hbm4b:s3+s10], $0x1, s7, s10, $0xb8;
	[tilespmem:$0x6900] =	vst v63  }
0x11f: {  	_ =	swait.ge [sflag:s4], $0x80  }
0x120: {  	[sflag:s4] =	ssyncset.done $0x0  }
0x121: {  	[sflag:s4] =	ssyncadd.s32 $0xFFFFFF80  }
0x122: {  	v1 =	vld [tilespmem:$0x6700];
	_ =	sdelay $0x4  }
0x123: {  	v2 =	vshll.u32 v1, $0x10  }
0x124: {  	v1 =	vand.u32 $0xFFFF0000, v1;
	[tilespmem:s28+$0x0] =	vst.add.f32.msk $0xffff, v2  }
0x125: {  	[tilespmem:s29+$0x0] =	vst.add.f32.msk $0xffff, v1  }
0x126: {  	v1 =	vld [tilespmem:$0x6710];
	_ =	sdelay $0x4  }
0x127: {  	v2 =	vshll.u32 v1, $0x10  }
0x128: {  	v1 =	vand.u32 $0xFFFF0000, v1;
	[tilespmem:s30+$0x0] =	vst.add.f32.msk $0xffff, v2  }
0x129: {  	[tilespmem:s31+$0x0] =	vst.add.f32.msk $0xffff, v1  }
0x12a: {  	v1 =	vld [tilespmem:$0x6720];
	_ =	sdelay $0x4  }
0x12b: {  	v2 =	vshll.u32 v1, $0x10  }
0x12c: {  	v1 =	vand.u32 $0xFFFF0000, v1;
	[tilespmem:s0+$0x0] =	vst.add.f32.msk $0xffff, v2  }
0x12d: {  	[tilespmem:s1+$0x0] =	vst.add.f32.msk $0xffff, v1  }
0x12e: {  	v1 =	vld [tilespmem:$0x6730];
	_ =	sdelay $0x4  }
0x12f: {  	v2 =	vshll.u32 v1, $0x10  }
0x130: {  	v1 =	vand.u32 $0xFFFF0000, v1;
	[tilespmem:s8+$0x0] =	vst.add.f32.msk $0xffff, v2  }
0x131: {  	[tilespmem:s9+$0x0] =	vst.add.f32.msk $0xffff, v1  }
0x132: {  	v1 =	vld [tilespmem:$0x6740];
	_ =	sdelay $0x4  }
0x133: {  	v2 =	vshll.u32 v1, $0x10  }
0x134: {  	v1 =	vand.u32 $0xFFFF0000, v1;
	[tilespmem:s12+$0x0] =	vst.add.f32.msk $0xffff, v2  }
0x135: {  	[tilespmem:s13+$0x0] =	vst.add.f32.msk $0xffff, v1  }
0x136: {  	v1 =	vld [tilespmem:$0x6750];
	_ =	sdelay $0x4  }
0x137: {  	v2 =	vshll.u32 v1, $0x10  }
0x138: {  	v1 =	vand.u32 $0xFFFF0000, v1;
	[tilespmem:s14+$0x0] =	vst.add.f32.msk $0xffff, v2  }
0x139: {  	[tilespmem:s15+$0x0] =	vst.add.f32.msk $0xffff, v1  }
0x13a: {  	v1 =	vld [tilespmem:$0x6760];
	_ =	sdelay $0x4  }
0x13b: {  	v2 =	vshll.u32 v1, $0x10  }
0x13c: {  	v1 =	vand.u32 $0xFFFF0000, v1;
	[tilespmem:s16+$0x0] =	vst.add.f32.msk $0xffff, v2  }
0x13d: {  	[tilespmem:s17+$0x0] =	vst.add.f32.msk $0xffff, v1  }
0x13e: {  	v1 =	vld [tilespmem:$0x6770];
	_ =	sdelay $0x4  }
0x13f: {  	v2 =	vshll.u32 v1, $0x10  }
0x140: {  	v1 =	vand.u32 $0xFFFF0000, v1;
	[tilespmem:s18+$0x0] =	vst.add.f32.msk $0xffff, v2  }
0x141: {  	s2 =	sadd.s32 @!p0 $0x700, s2;
	s7 =	simm.s32 @!p0 $0x6700;
	[tilespmem:s19+$0x0] =	vst.add.f32.msk $0xffff, v1  }
0x142: {  	[tilespmem:s7], [sflag:$0x7] =	stream.indirect.gather @!p0 [hbm4b:s3+s10], $0x1, s2, s10, $0xb8;
	[tilespmem:$0x6900] =	vst v63  }
0x143: {  	_ =	swait.ge [sflag:s6], $0x80  }
0x144: {  	[sflag:s6] =	ssyncset.done $0x0  }
0x145: {  	[sflag:s6] =	ssyncadd.s32 $0xFFFFFF80  }
0x146: {  	v1 =	vld [tilespmem:$0x6780];
	_ =	sdelay $0x4  }
0x147: {  	v2 =	vshll.u32 v1, $0x10  }
0x148: {  	v1 =	vand.u32 $0xFFFF0000, v1;
	[tilespmem:s28+$0x0] =	vst.add.f32.msk $0xffff, v2  }
0x149: {  	[tilespmem:s29+$0x0] =	vst.add.f32.msk $0xffff, v1  }
0x14a: {  	v1 =	vld [tilespmem:$0x6790];
	_ =	sdelay $0x4  }
0x14b: {  	v2 =	vshll.u32 v1, $0x10  }
0x14c: {  	v1 =	vand.u32 $0xFFFF0000, v1;
	[tilespmem:s30+$0x0] =	vst.add.f32.msk $0xffff, v2  }
0x14d: {  	[tilespmem:s31+$0x0] =	vst.add.f32.msk $0xffff, v1  }
0x14e: {  	v1 =	vld [tilespmem:$0x67A0];
	_ =	sdelay $0x4  }
0x14f: {  	v2 =	vshll.u32 v1, $0x10  }
0x150: {  	v1 =	vand.u32 $0xFFFF0000, v1;
	[tilespmem:s0+$0x0] =	vst.add.f32.msk $0xffff, v2  }
0x151: {  	[tilespmem:s1+$0x0] =	vst.add.f32.msk $0xffff, v1  }
0x152: {  	v1 =	vld [tilespmem:$0x67B0];
	_ =	sdelay $0x4  }
0x153: {  	v2 =	vshll.u32 v1, $0x10  }
0x154: {  	v1 =	vand.u32 $0xFFFF0000, v1;
	[tilespmem:s8+$0x0] =	vst.add.f32.msk $0xffff, v2  }
0x155: {  	[tilespmem:s9+$0x0] =	vst.add.f32.msk $0xffff, v1  }
0x156: {  	v1 =	vld [tilespmem:$0x67C0];
	_ =	sdelay $0x4  }
0x157: {  	v2 =	vshll.u32 v1, $0x10  }
0x158: {  	v1 =	vand.u32 $0xFFFF0000, v1;
	[tilespmem:s12+$0x0] =	vst.add.f32.msk $0xffff, v2  }
0x159: {  	[tilespmem:s13+$0x0] =	vst.add.f32.msk $0xffff, v1  }
0x15a: {  	v1 =	vld [tilespmem:$0x67D0];
	_ =	sdelay $0x4  }
0x15b: {  	v2 =	vshll.u32 v1, $0x10  }
0x15c: {  	v1 =	vand.u32 $0xFFFF0000, v1;
	[tilespmem:s14+$0x0] =	vst.add.f32.msk $0xffff, v2  }
0x15d: {  	[tilespmem:s15+$0x0] =	vst.add.f32.msk $0xffff, v1  }
0x15e: {  	v1 =	vld [tilespmem:$0x67E0];
	_ =	sdelay $0x4  }
0x15f: {  	v2 =	vshll.u32 v1, $0x10  }
0x160: {  	v1 =	vand.u32 $0xFFFF0000, v1;
	[tilespmem:s16+$0x0] =	vst.add.f32.msk $0xffff, v2  }
0x161: {  	[tilespmem:s17+$0x0] =	vst.add.f32.msk $0xffff, v1  }
0x162: {  	v1 =	vld [tilespmem:$0x67F0];
	_ =	sdelay $0x2  }
.Ltmp2:
0x163: {  	_ = 	snop;
	(pc) =	sbr.rel @p0 .LBB2_4-.Ltmp2, $4  }
0x164: {  	_ = 	snop  }
0x165: {  	v2 =	vshll.u32 v1, $0x10  }
0x166: {  	v1 =	vand.u32 $0xFFFF0000, v1;
	[tilespmem:s18+$0x0] =	vst.add.f32.msk $0xffff, v2  }
0x167: {  	[tilespmem:s19+$0x0] =	vst.add.f32.msk $0xffff, v1  }
.Ltmp3:
0x168: {  	(pc) =	sbr.rel .LBB2_2-.Ltmp3, $4  }
0x169: {  	_ = 	snop  }
0x16a: {  	s2 =	sshra.s32 s5, $0x2  }
0x16b: {  	s7 =	simm.s32 $0x6780;
	s5 =	sadd.s32 $0x1000, s5;
	s2 =	sadd.s32 $0x780, s2  }
0x16c: {  	[tilespmem:s7], [sflag:$0x8] =	stream.indirect.gather [hbm4b:s3+s11], $0x1, s2, s11, $0xb8;
	[tilespmem:$0x6900] =	vst v63  }
.LBB2_5:
0x16d: {  	_ =	sfence.sel $0x180000  }
0x16e: {  	[bflag:$0x0] =	sbarrier.arrive $0xFFFF  }
0x16f: {  	_ =	strace $0x90000047  }
0x170: {  	s0 =	stileid.u32;
	[bflag:$0x2] =	sbarrier.arrive $0xFFFF  }
0x171: {  	p0 =	sne.s32 s0, $0x0;
	s0 =	rddreg [dreg:$0x3]  }
0x172: {  	s0 =	sadd.s32 @!p0 $0x100000, s0  }
0x173: {  	[sflag:s0] =	ssyncadd.tile.s32 @!p0 $0x1;
	_ =	shalt  }
.Lfunc_end2:
_tile_overlayer_lowered:
.L_overlay_start_2:
0x174: {  	(tag) =	ssettag $0x2  }
0x175: {  	s0 =	rddreg [dreg:$0x0];
	s2 =	stileid.u32  }
0x176: {  	s1 =	rddreg [dreg:$0x1];
	p0 =	sne.s32 s2, $0x0  }
0x177: {  	s3 =	rddreg [dreg:$0x2];
	[bflag:$0x3] =	sbarrier.arrive $0xFFFF;
	s2 =	simm.s32 @!p0 $0x1C09  }
0x178: {  	[timem:s3], [sflag:s2] =	dma.local @!p0 [hbm:s0], s1  }
0x179: {  	s0 =	simm.s32 @!p0 $0x9  }
0x17a: {  	_ =	swait.ge @!p0 [sflag:s0], s1  }
0x17b: {  	s1 =	ssub.s32 @!p0 $0x0, s1;
	[sflag:s0] =	ssyncset.done @!p0 $0x0  }
0x17c: {  	[sflag:s0] =	ssyncadd.s32 @!p0 s1  }
0x17d: {  	[bflag:$0x3] =	sbarrier.arrive $0xFFFF  }
0x17e: {  	_ =	shalt  }

</sc_bundles>
